<compile_context>
chip_gen: v7x
topology: tpu7x:2x2x1
jax: 0.10.2.dev20260603
libtpu: 0.0.44.dev20260713+nightly
codegen_flags: <defaults>
</compile_context>

<pallas_src>
import functools

import jax
import jax.numpy as jnp
from jax import lax
from jax.experimental import pallas as pl
from jax.experimental.pallas import tpu as pltpu
from jax.experimental.pallas import tpu_sc as plsc

NC = 2
NS = 16
NW = NC * NS

D = 64
BB = 128
NBUF = 4


def _gather_body(table_hbm, idxt_hbm, out5_hbm, idx_v, rows_v, lblk_v,
                 gsems, ssems, *, n_blocks):
    wid = lax.axis_index("s") * NC + lax.axis_index("c")
    blocks_per_w = n_blocks // NW
    b0 = wid * blocks_per_w
    n_idx = blocks_per_w * BB

    pltpu.sync_copy(idxt_hbm.at[pl.ds(b0 * BB, n_idx)], idx_v)

    iot = lax.iota(jnp.int32, 16)
    ftv = [lax.shift_right_logical(iot + 16 * k, 3) for k in range(4)]
    fiv = [(iot + 16 * k) & 7 for k in range(4)]

    def gather(j, b):
        pltpu.async_copy(
            table_hbm.at[idx_v.at[pl.ds(j * BB, BB)]], rows_v.at[b], gsems.at[b])

    def gather_wait(j, b):
        pltpu.make_async_copy(
            table_hbm.at[idx_v.at[pl.ds(j * BB, BB)]], rows_v.at[b], gsems.at[b]).wait()

    def transpose_block(b):
        @plsc.parallel_loop(0, BB, step=1)
        def _(bi):
            bivec = jnp.full((16,), bi, jnp.int32)
            for k in range(D // 16):
                v = rows_v[b, bi, pl.ds(16 * k, 16)]
                plsc.store_scatter(lblk_v.at[b], [ftv[k], fiv[k], bivec], v)

    def store_block(j, b):
        beta = b0 + j
        s = beta // 128
        bt = lax.rem(beta, 128)
        for ft in range(8):
            pltpu.async_copy(lblk_v.at[b, ft, :, pl.ds(0, 128)],
                             out5_hbm.at[s, ft, bt], ssems.at[b])

    def store_wait(j, b):
        beta = b0 + j
        s = beta // 128
        bt = lax.rem(beta, 128)
        for ft in range(8):
            pltpu.make_async_copy(
                lblk_v.at[b, ft, :, pl.ds(0, 128)],
                out5_hbm.at[s, ft, bt], ssems.at[b]).wait()

    for b in range(NBUF):
        gather(b, b)

    n = blocks_per_w

    def body(j, _):
        b = lax.rem(j, NBUF)
        gather_wait(j, b)

        @pl.when(j >= NBUF)
        def _():
            store_wait(j - NBUF, b)

        transpose_block(b)

        @pl.when(j < n - NBUF)
        def _():
            gather(j + NBUF, b)

        store_block(j, b)
        return 0

    lax.fori_loop(0, n, body, 0)

    def drain(j, _):
        store_wait(j, lax.rem(j, NBUF))
        return 0

    lax.fori_loop(n - NBUF, n, drain, 0)


def kernel(input, weight):
    NB, S = input.shape
    B = NB * S
    n_blocks = B // BB
    idx_t = input.T.reshape(B)
    weight = jnp.pad(weight, ((0, 0), (0, 128 - D)))

    mesh = plsc.VectorSubcoreMesh(core_axis_name="c", subcore_axis_name="s")
    k = functools.partial(
        pl.kernel,
        out_type=jax.ShapeDtypeStruct((S, D // 8, NB // 128, 8, 128),
                                      jnp.float32),
        mesh=mesh,
        scratch_types=[
            pltpu.VMEM((B // NW,), jnp.int32),
            pltpu.VMEM((NBUF, BB, 128), jnp.float32),
            pltpu.VMEM((NBUF, D // 8, 8, 132), jnp.float32),
            pltpu.SemaphoreType.DMA((NBUF,)),
            pltpu.SemaphoreType.DMA((NBUF,)),
        ],
        compiler_params=pltpu.CompilerParams(use_tc_tiling_on_sc=False,
                                             needs_layout_passes=False,
                                             disable_bounds_checks=True),
    )(functools.partial(_gather_body, n_blocks=n_blocks))
    out5 = k(weight, idx_t)
    return out5.transpose(2, 4, 0, 1, 3).reshape(NB, S, D)

# --- scband reference (transcript-rebuilt; emitter-appended) ---
"""Pipeline reference for scband-node-asin-embedding-47794396070386 (READ-ONLY COPY).

The authoritative reference and input builder live on the scoring server;
editing this copy changes nothing except your own understanding.
"""

import jax, jax.numpy as jnp
import numpy as np

NPRODUCTS = 1000000
NINP = 64

def setup_inputs(seed: int = 0) -> dict:
    key = jax.random.key(seed)
    k_idx, k_w = jax.random.split(key)
    input = jax.random.randint(k_idx, (16384, 50), 0, NPRODUCTS, dtype=jnp.int64 if jax.config.jax_enable_x64 else jnp.int32)
    # nn.Embedding default init: N(0, 1)
    weight = jax.random.normal(k_w, (NPRODUCTS, NINP), dtype=jnp.float32)
    return {"input": input, "weight": weight}

def reference(input, weight):
    # NodeAsinEmbedding.forward: self.encoder(input) -> embedding lookup
    return jnp.take(weight, input, axis=0)

if __name__ == "__main__":
    import jax
    _d = setup_inputs()
    print(jax.jit(kernel)(*tuple(_d.values())))

</pallas_src>

<mosaic_0001>
#map = affine_map<(d0, d1) -> (0, 0)>
#map1 = affine_map<(d0, d1) -> (0)>
#map2 = affine_map<(d0, d1) -> (0, 0, 0, 0, 0)>
module attributes {stable_mosaic.version = 14 : i64} {
  func.func @_gather_body(%arg0: i32, %arg1: i32, %arg2: memref<1000000x128xf32, #tpu.memory_space<hbm>>, %arg3: memref<819200xi32, #tpu.memory_space<hbm>>, %arg4: memref<50x8x128x8x128xf32, #tpu.memory_space<hbm>>, %arg5: memref<25600xi32, #tpu.memory_space<vmem>>, %arg6: memref<4x128x128xf32, #tpu.memory_space<vmem>>, %arg7: memref<4x8x8x132xf32, #tpu.memory_space<vmem>>, %arg8: memref<4x!tpu.dma_semaphore, #tpu.memory_space<semaphore_mem>>, %arg9: memref<4x!tpu.dma_semaphore, #tpu.memory_space<semaphore_mem>>) attributes {dimension_semantics = [#tpu.dimension_semantics<core_parallel>, #tpu.dimension_semantics<subcore_parallel>], iteration_bounds = array<i64: 2, 16>, scalar_prefetch = 0 : i64, scratch_operands = 5 : i64, tpu.core_type = #tpu.core_type<sc_vector_subcore>, window_params = [{transform_indices = #map}, {transform_indices = #map1}, {transform_indices = #map2}]} {
    %mul3A = arith.constant 2 : i32
    %mul3A_0 = arith.muli %arg1, %mul3A : i32
    %add3A = arith.addi %mul3A_0, %arg0 : i32
    %mul3A_1 = arith.constant 200 : i32
    %mul3A_2 = arith.muli %add3A, %mul3A_1 : i32
    %mul3A_3 = arith.constant 128 : i32
    %mul3A_4 = arith.muli %mul3A_2, %mul3A_3 : i32
    "tpu.region"() ({
      %run_scoped3A = tpu.sem_alloc : memref<!tpu.dma_semaphore, #tpu.memory_space<semaphore_mem>>
      %dma_start3A_115 = tpu.memref_slice %arg3[%mul3A_4] : memref<819200xi32, #tpu.memory_space<hbm>> -> memref<25600xi32, #tpu.memory_space<hbm>>
      %dma_start3A_116 = tpu.memref_slice %arg3[%mul3A_4] : memref<819200xi32, #tpu.memory_space<hbm>> -> memref<25600xi32, #tpu.memory_space<hbm>>
      tpu.enqueue_dma source(%dma_start3A_116 : memref<25600xi32, #tpu.memory_space<hbm>>) target(%arg5 : memref<25600xi32, #tpu.memory_space<vmem>>) target_semaphore(%run_scoped3A : memref<!tpu.dma_semaphore, #tpu.memory_space<semaphore_mem>>)
      %dma_wait3A = tpu.memref_slice %arg3[%mul3A_4] : memref<819200xi32, #tpu.memory_space<hbm>> -> memref<25600xi32, #tpu.memory_space<hbm>>
      %dma_wait3A_117 = tpu.memref_slice %arg3[%mul3A_4] : memref<819200xi32, #tpu.memory_space<hbm>> -> memref<25600xi32, #tpu.memory_space<hbm>>
      tpu.wait_dma2 semaphore(%run_scoped3A : memref<!tpu.dma_semaphore, #tpu.memory_space<semaphore_mem>>) src(%dma_wait3A_117 : memref<25600xi32, #tpu.memory_space<hbm>>) dst(%arg5 : memref<25600xi32, #tpu.memory_space<vmem>>)
      tpu.yield
    }) : () -> ()
    %iota3A = tpu.iota {dimensions = array<i32: 0>} : vector<16xi32>
    %add3A_5 = arith.constant 0 : i32
    %add3A_6 = vector.broadcast %add3A_5 : i32 to vector<16xi32>
    %add3A_7 = arith.addi %iota3A, %add3A_6 : vector<16xi32>
    %shift_right_logical3A = arith.constant 3 : i32
    %shift_right_logical3A_8 = vector.broadcast %shift_right_logical3A : i32 to vector<16xi32>
    %shift_right_logical3A_9 = arith.shrui %add3A_7, %shift_right_logical3A_8 : vector<16xi32>
    %add3A_10 = arith.constant 16 : i32
    %add3A_11 = vector.broadcast %add3A_10 : i32 to vector<16xi32>
    %add3A_12 = arith.addi %iota3A, %add3A_11 : vector<16xi32>
    %shift_right_logical3A_13 = arith.constant 3 : i32
    %shift_right_logical3A_14 = vector.broadcast %shift_right_logical3A_13 : i32 to vector<16xi32>
    %shift_right_logical3A_15 = arith.shrui %add3A_12, %shift_right_logical3A_14 : vector<16xi32>
    %add3A_16 = arith.constant 32 : i32
    %add3A_17 = vector.broadcast %add3A_16 : i32 to vector<16xi32>
    %add3A_18 = arith.addi %iota3A, %add3A_17 : vector<16xi32>
    %shift_right_logical3A_19 = arith.constant 3 : i32
    %shift_right_logical3A_20 = vector.broadcast %shift_right_logical3A_19 : i32 to vector<16xi32>
    %shift_right_logical3A_21 = arith.shrui %add3A_18, %shift_right_logical3A_20 : vector<16xi32>
    %add3A_22 = arith.constant 48 : i32
    %add3A_23 = vector.broadcast %add3A_22 : i32 to vector<16xi32>
    %add3A_24 = arith.addi %iota3A, %add3A_23 : vector<16xi32>
    %shift_right_logical3A_25 = arith.constant 3 : i32
    %shift_right_logical3A_26 = vector.broadcast %shift_right_logical3A_25 : i32 to vector<16xi32>
    %shift_right_logical3A_27 = arith.shrui %add3A_24, %shift_right_logical3A_26 : vector<16xi32>
    %add3A_28 = arith.constant 0 : i32
    %add3A_29 = vector.broadcast %add3A_28 : i32 to vector<16xi32>
    %add3A_30 = arith.addi %iota3A, %add3A_29 : vector<16xi32>
    %and3A = arith.constant 7 : i32
    %and3A_31 = vector.broadcast %and3A : i32 to vector<16xi32>
    %and3A_32 = arith.andi %add3A_30, %and3A_31 : vector<16xi32>
    %add3A_33 = arith.constant 16 : i32
    %add3A_34 = vector.broadcast %add3A_33 : i32 to vector<16xi32>
    %add3A_35 = arith.addi %iota3A, %add3A_34 : vector<16xi32>
    %and3A_36 = arith.constant 7 : i32
    %and3A_37 = vector.broadcast %and3A_36 : i32 to vector<16xi32>
    %and3A_38 = arith.andi %add3A_35, %and3A_37 : vector<16xi32>
    %add3A_39 = arith.constant 32 : i32
    %add3A_40 = vector.broadcast %add3A_39 : i32 to vector<16xi32>
    %add3A_41 = arith.addi %iota3A, %add3A_40 : vector<16xi32>
    %and3A_42 = arith.constant 7 : i32
    %and3A_43 = vector.broadcast %and3A_42 : i32 to vector<16xi32>
    %and3A_44 = arith.andi %add3A_41, %and3A_43 : vector<16xi32>
    %add3A_45 = arith.constant 48 : i32
    %add3A_46 = vector.broadcast %add3A_45 : i32 to vector<16xi32>
    %add3A_47 = arith.addi %iota3A, %add3A_46 : vector<16xi32>
    %and3A_48 = arith.constant 7 : i32
    %and3A_49 = vector.broadcast %and3A_48 : i32 to vector<16xi32>
    %and3A_50 = arith.andi %add3A_47, %and3A_49 : vector<16xi32>
    %dma_start3A = arith.constant 0 : i32
    %dma_start3A_51 = arith.constant 0 : i32
    %dma_start3A_52 = arith.constant 0 : i32
    %dma_start3A_53 = arith.constant 0 : i32
    %dma_start3A_54 = tpu.memref_slice %arg6[%dma_start3A, %dma_start3A_52, %dma_start3A_53] : memref<4x128x128xf32, #tpu.memory_space<vmem>> -> memref<1x128x128xf32, #tpu.memory_space<vmem>>
    %dma_start3A_55 = tpu.memref_squeeze %dma_start3A_54 : memref<1x128x128xf32, #tpu.memory_space<vmem>> -> memref<128x128xf32, #tpu.memory_space<vmem>>
    %dma_start3A_56 = arith.constant 0 : i32
    %dma_start3A_57 = tpu.memref_slice %arg5[%dma_start3A_56] : memref<25600xi32, #tpu.memory_space<vmem>> -> memref<128xi32, #tpu.memory_space<vmem>>
    %dma_start3A_58 = arith.constant 0 : i32
    %dma_start3A_59 = arith.constant 0 : i32
    %dma_start3A_60 = tpu.memref_slice %arg2[%dma_start3A_58, %dma_start3A_59] : memref<1000000x128xf32, #tpu.memory_space<hbm>> -> memref<1000000x128xf32, #tpu.memory_space<hbm>>
    %dma_start3A_61 = tpu.memref_slice %arg8[%dma_start3A_51] : memref<4x!tpu.dma_semaphore, #tpu.memory_space<semaphore_mem>> -> memref<1x!tpu.dma_semaphore, #tpu.memory_space<semaphore_mem>>
    %dma_start3A_62 = tpu.memref_squeeze %dma_start3A_61 : memref<1x!tpu.dma_semaphore, #tpu.memory_space<semaphore_mem>> -> memref<!tpu.dma_semaphore, #tpu.memory_space<semaphore_mem>>
    tpu.enqueue_indirect_dma source(%dma_start3A_60 : memref<1000000x128xf32, #tpu.memory_space<hbm>>) target(%dma_start3A_55 : memref<128x128xf32, #tpu.memory_space<vmem>>) offsets(%dma_start3A_57 : memref<128xi32, #tpu.memory_space<vmem>>) semaphore(%dma_start3A_62 : memref<!tpu.dma_semaphore, #tpu.memory_space<semaphore_mem>>)
    %dma_start3A_63 = arith.constant 1 : i32
    %dma_start3A_64 = arith.constant 1 : i32
    %dma_start3A_65 = arith.constant 0 : i32
    %dma_start3A_66 = arith.constant 0 : i32
    %dma_start3A_67 = tpu.memref_slice %arg6[%dma_start3A_63, %dma_start3A_65, %dma_start3A_66] : memref<4x128x128xf32, #tpu.memory_space<vmem>> -> memref<1x128x128xf32, #tpu.memory_space<vmem>>
    %dma_start3A_68 = tpu.memref_squeeze %dma_start3A_67 : memref<1x128x128xf32, #tpu.memory_space<vmem>> -> memref<128x128xf32, #tpu.memory_space<vmem>>
    %dma_start3A_69 = arith.constant 128 : i32
    %dma_start3A_70 = tpu.memref_slice %arg5[%dma_start3A_69] : memref<25600xi32, #tpu.memory_space<vmem>> -> memref<128xi32, #tpu.memory_space<vmem>>
    %dma_start3A_71 = arith.constant 0 : i32
    %dma_start3A_72 = arith.constant 0 : i32
    %dma_start3A_73 = tpu.memref_slice %arg2[%dma_start3A_71, %dma_start3A_72] : memref<1000000x128xf32, #tpu.memory_space<hbm>> -> memref<1000000x128xf32, #tpu.memory_space<hbm>>
    %dma_start3A_74 = tpu.memref_slice %arg8[%dma_start3A_64] : memref<4x!tpu.dma_semaphore, #tpu.memory_space<semaphore_mem>> -> memref<1x!tpu.dma_semaphore, #tpu.memory_space<semaphore_mem>>
    %dma_start3A_75 = tpu.memref_squeeze %dma_start3A_74 : memref<1x!tpu.dma_semaphore, #tpu.memory_space<semaphore_mem>> -> memref<!tpu.dma_semaphore, #tpu.memory_space<semaphore_mem>>
    tpu.enqueue_indirect_dma source(%dma_start3A_73 : memref<1000000x128xf32, #tpu.memory_space<hbm>>) target(%dma_start3A_68 : memref<128x128xf32, #tpu.memory_space<vmem>>) offsets(%dma_start3A_70 : memref<128xi32, #tpu.memory_space<vmem>>) semaphore(%dma_start3A_75 : memref<!tpu.dma_semaphore, #tpu.memory_space<semaphore_mem>>)
    %dma_start3A_76 = arith.constant 2 : i32
    %dma_start3A_77 = arith.constant 2 : i32
    %dma_start3A_78 = arith.constant 0 : i32
    %dma_start3A_79 = arith.constant 0 : i32
    %dma_start3A_80 = tpu.memref_slice %arg6[%dma_start3A_76, %dma_start3A_78, %dma_start3A_79] : memref<4x128x128xf32, #tpu.memory_space<vmem>> -> memref<1x128x128xf32, #tpu.memory_space<vmem>>
    %dma_start3A_81 = tpu.memref_squeeze %dma_start3A_80 : memref<1x128x128xf32, #tpu.memory_space<vmem>> -> memref<128x128xf32, #tpu.memory_space<vmem>>
    %dma_start3A_82 = arith.constant 256 : i32
    %dma_start3A_83 = tpu.memref_slice %arg5[%dma_start3A_82] : memref<25600xi32, #tpu.memory_space<vmem>> -> memref<128xi32, #tpu.memory_space<vmem>>
    %dma_start3A_84 = arith.constant 0 : i32
    %dma_start3A_85 = arith.constant 0 : i32
    %dma_start3A_86 = tpu.memref_slice %arg2[%dma_start3A_84, %dma_start3A_85] : memref<1000000x128xf32, #tpu.memory_space<hbm>> -> memref<1000000x128xf32, #tpu.memory_space<hbm>>
    %dma_start3A_87 = tpu.memref_slice %arg8[%dma_start3A_77] : memref<4x!tpu.dma_semaphore, #tpu.memory_space<semaphore_mem>> -> memref<1x!tpu.dma_semaphore, #tpu.memory_space<semaphore_mem>>
    %dma_start3A_88 = tpu.memref_squeeze %dma_start3A_87 : memref<1x!tpu.dma_semaphore, #tpu.memory_space<semaphore_mem>> -> memref<!tpu.dma_semaphore, #tpu.memory_space<semaphore_mem>>
    tpu.enqueue_indirect_dma source(%dma_start3A_86 : memref<1000000x128xf32, #tpu.memory_space<hbm>>) target(%dma_start3A_81 : memref<128x128xf32, #tpu.memory_space<vmem>>) offsets(%dma_start3A_83 : memref<128xi32, #tpu.memory_space<vmem>>) semaphore(%dma_start3A_88 : memref<!tpu.dma_semaphore, #tpu.memory_space<semaphore_mem>>)
    %dma_start3A_89 = arith.constant 3 : i32
    %dma_start3A_90 = arith.constant 3 : i32
    %dma_start3A_91 = arith.constant 0 : i32
    %dma_start3A_92 = arith.constant 0 : i32
    %dma_start3A_93 = tpu.memref_slice %arg6[%dma_start3A_89, %dma_start3A_91, %dma_start3A_92] : memref<4x128x128xf32, #tpu.memory_space<vmem>> -> memref<1x128x128xf32, #tpu.memory_space<vmem>>
    %dma_start3A_94 = tpu.memref_squeeze %dma_start3A_93 : memref<1x128x128xf32, #tpu.memory_space<vmem>> -> memref<128x128xf32, #tpu.memory_space<vmem>>
    %dma_start3A_95 = arith.constant 384 : i32
    %dma_start3A_96 = tpu.memref_slice %arg5[%dma_start3A_95] : memref<25600xi32, #tpu.memory_space<vmem>> -> memref<128xi32, #tpu.memory_space<vmem>>
    %dma_start3A_97 = arith.constant 0 : i32
    %dma_start3A_98 = arith.constant 0 : i32
    %dma_start3A_99 = tpu.memref_slice %arg2[%dma_start3A_97, %dma_start3A_98] : memref<1000000x128xf32, #tpu.memory_space<hbm>> -> memref<1000000x128xf32, #tpu.memory_space<hbm>>
    %dma_start3A_100 = tpu.memref_slice %arg8[%dma_start3A_90] : memref<4x!tpu.dma_semaphore, #tpu.memory_space<semaphore_mem>> -> memref<1x!tpu.dma_semaphore, #tpu.memory_space<semaphore_mem>>
    %dma_start3A_101 = tpu.memref_squeeze %dma_start3A_100 : memref<1x!tpu.dma_semaphore, #tpu.memory_space<semaphore_mem>> -> memref<!tpu.dma_semaphore, #tpu.memory_space<semaphore_mem>>
    tpu.enqueue_indirect_dma source(%dma_start3A_99 : memref<1000000x128xf32, #tpu.memory_space<hbm>>) target(%dma_start3A_94 : memref<128x128xf32, #tpu.memory_space<vmem>>) offsets(%dma_start3A_96 : memref<128xi32, #tpu.memory_space<vmem>>) semaphore(%dma_start3A_101 : memref<!tpu.dma_semaphore, #tpu.memory_space<semaphore_mem>>)
    %scan3A = arith.constant 0 : i32
    %scan3A_102 = arith.constant 0 : i32
    %scan3A_103 = arith.constant 200 : i32
    %scan3A_104 = arith.addi %scan3A_102, %scan3A_103 : i32
    %scan3A_105 = arith.constant 1 : i32
    %scan3A_106 = scf.for %scan3A_115 = %scan3A_102 to %scan3A_104 step %scan3A_105 iter_args(%scan3A_116 = %scan3A) -> (i32)  : i32 {
      %rem3A = arith.constant 4 : i32
      %rem3A_117 = arith.remsi %scan3A_115, %rem3A : i32
      %mul3A_118 = arith.constant 128 : i32
      %mul3A_119 = arith.muli %scan3A_115, %mul3A_118 : i32
      %dma_wait3A = arith.constant 0 : i32
      %dma_wait3A_120 = arith.constant 0 : i32
      %dma_wait3A_121 = tpu.memref_slice %arg6[%rem3A_117, %dma_wait3A, %dma_wait3A_120] : memref<4x128x128xf32, #tpu.memory_space<vmem>> -> memref<1x128x128xf32, #tpu.memory_space<vmem>>
      %dma_wait3A_122 = tpu.memref_squeeze %dma_wait3A_121 : memref<1x128x128xf32, #tpu.memory_space<vmem>> -> memref<128x128xf32, #tpu.memory_space<vmem>>
      %dma_wait3A_123 = tpu.memref_slice %arg5[%mul3A_119] : memref<25600xi32, #tpu.memory_space<vmem>> -> memref<128xi32, #tpu.memory_space<vmem>>
      %dma_wait3A_124 = arith.constant 0 : i32
      %dma_wait3A_125 = arith.constant 0 : i32
      %dma_wait3A_126 = tpu.memref_slice %arg2[%dma_wait3A_124, %dma_wait3A_125] : memref<1000000x128xf32, #tpu.memory_space<hbm>> -> memref<1000000x128xf32, #tpu.memory_space<hbm>>
      %dma_wait3A_127 = tpu.memref_slice %arg8[%rem3A_117] : memref<4x!tpu.dma_semaphore, #tpu.memory_space<semaphore_mem>> -> memref<1x!tpu.dma_semaphore, #tpu.memory_space<semaphore_mem>>
      %dma_wait3A_128 = tpu.memref_squeeze %dma_wait3A_127 : memref<1x!tpu.dma_semaphore, #tpu.memory_space<semaphore_mem>> -> memref<!tpu.dma_semaphore, #tpu.memory_space<semaphore_mem>>
      tpu.wait_indirect_dma semaphore(%dma_wait3A_128 : memref<!tpu.dma_semaphore, #tpu.memory_space<semaphore_mem>>) src(%dma_wait3A_126 : memref<1000000x128xf32, #tpu.memory_space<hbm>>) dst(%dma_wait3A_122 : memref<128x128xf32, #tpu.memory_space<vmem>>)
      %ge3A = arith.constant 4 : i32
      %ge3A_129 = arith.cmpi sge, %scan3A_115, %ge3A : i32
      %convert_element_type3A = arith.extui %ge3A_129 : i1 to i32
      %cond3A = arith.constant 0 : i32
      %cond3A_130 = arith.cmpi ne, %convert_element_type3A, %cond3A : i32
      scf.if %cond3A_130 {
        %sub3A_319 = arith.constant 4 : i32
        %sub3A_320 = arith.subi %scan3A_115, %sub3A_319 : i32
        %add3A_321 = arith.addi %mul3A_2, %sub3A_320 : i32
        %jit3A_322 = arith.constant 128 : i32
        %div3A_323 = arith.divsi %add3A_321, %jit3A_322 : i32
        %sign3A_324 = arith.constant 0 : i32
        %sign3A_325 = arith.cmpi sgt, %add3A_321, %sign3A_324 : i32
        %sign3A_326 = arith.extui %sign3A_325 : i1 to i32
        %sign3A_327 = arith.constant 0 : i32
        %sign3A_328 = arith.cmpi slt, %add3A_321, %sign3A_327 : i32
        %sign3A_329 = arith.extui %sign3A_328 : i1 to i32
        %sign3A_330 = arith.subi %sign3A_326, %sign3A_329 : i32
        %sign3A_331 = arith.constant 0 : i32
        %sign3A_332 = arith.cmpi sgt, %jit3A_322, %sign3A_331 : i32
        %sign3A_333 = arith.extui %sign3A_332 : i1 to i32
        %sign3A_334 = arith.constant 0 : i32
        %sign3A_335 = arith.cmpi slt, %jit3A_322, %sign3A_334 : i32
        %sign3A_336 = arith.extui %sign3A_335 : i1 to i32
        %sign3A_337 = arith.subi %sign3A_333, %sign3A_336 : i32
        %ne3A_338 = arith.cmpi ne, %sign3A_330, %sign3A_337 : i32
        %rem3A_339 = arith.remsi %add3A_321, %jit3A_322 : i32
        %ne3A_340 = arith.constant 0 : i32
        %ne3A_341 = arith.cmpi ne, %rem3A_339, %ne3A_340 : i32
        %and3A_342 = arith.andi %ne3A_338, %ne3A_341 : i1
        %sub3A_343 = arith.constant 1 : i32
        %sub3A_344 = arith.subi %div3A_323, %sub3A_343 : i32
        %select_n3A_345 = arith.select %and3A_342, %sub3A_344, %div3A_323 : i32
        %rem3A_346 = arith.constant 128 : i32
        %rem3A_347 = arith.remsi %add3A_321, %rem3A_346 : i32
        %dma_wait3A_348 = arith.constant 0 : i32
        %dma_wait3A_349 = arith.constant 0 : i32
        %dma_wait3A_350 = arith.constant 0 : i32
        %dma_wait3A_351 = arith.constant 0 : i32
        %dma_wait3A_352 = tpu.memref_slice %arg7[%rem3A_117, %dma_wait3A_348, %dma_wait3A_350, %dma_wait3A_351] : memref<4x8x8x132xf32, #tpu.memory_space<vmem>> -> memref<1x1x8x128xf32, #tpu.memory_space<vmem>>
        %dma_wait3A_353 = tpu.memref_squeeze %dma_wait3A_352 : memref<1x1x8x128xf32, #tpu.memory_space<vmem>> -> memref<8x128xf32, #tpu.memory_space<vmem>>
        %dma_wait3A_354 = arith.constant 0 : i32
        %dma_wait3A_355 = arith.constant 0 : i32
        %dma_wait3A_356 = tpu.memref_slice %arg4[%select_n3A_345, %dma_wait3A_349, %rem3A_347, %dma_wait3A_354, %dma_wait3A_355] : memref<50x8x128x8x128xf32, #tpu.memory_space<hbm>> -> memref<1x1x1x8x128xf32, #tpu.memory_space<hbm>>
        %dma_wait3A_357 = tpu.memref_squeeze %dma_wait3A_356 : memref<1x1x1x8x128xf32, #tpu.memory_space<hbm>> -> memref<8x128xf32, #tpu.memory_space<hbm>>
        %dma_wait3A_358 = tpu.memref_slice %arg9[%rem3A_117] : memref<4x!tpu.dma_semaphore, #tpu.memory_space<semaphore_mem>> -> memref<1x!tpu.dma_semaphore, #tpu.memory_space<semaphore_mem>>
        %dma_wait3A_359 = tpu.memref_squeeze %dma_wait3A_358 : memref<1x!tpu.dma_semaphore, #tpu.memory_space<semaphore_mem>> -> memref<!tpu.dma_semaphore, #tpu.memory_space<semaphore_mem>>
        %dma_wait3A_360 = arith.constant 0 : i32
        %dma_wait3A_361 = arith.constant 0 : i32
        %dma_wait3A_362 = tpu.memref_slice %arg4[%select_n3A_345, %dma_wait3A_349, %rem3A_347, %dma_wait3A_360, %dma_wait3A_361] : memref<50x8x128x8x128xf32, #tpu.memory_space<hbm>> -> memref<1x1x1x8x128xf32, #tpu.memory_space<hbm>>
        %dma_wait3A_363 = tpu.memref_squeeze %dma_wait3A_362 : memref<1x1x1x8x128xf32, #tpu.memory_space<hbm>> -> memref<8x128xf32, #tpu.memory_space<hbm>>
        %dma_wait3A_364 = arith.constant 0 : i32
        %dma_wait3A_365 = arith.constant 0 : i32
        %dma_wait3A_366 = tpu.memref_slice %arg7[%rem3A_117, %dma_wait3A_348, %dma_wait3A_364, %dma_wait3A_365] : memref<4x8x8x132xf32, #tpu.memory_space<vmem>> -> memref<1x1x8x128xf32, #tpu.memory_space<vmem>>
        %dma_wait3A_367 = tpu.memref_squeeze %dma_wait3A_366 : memref<1x1x8x128xf32, #tpu.memory_space<vmem>> -> memref<8x128xf32, #tpu.memory_space<vmem>>
        tpu.wait_dma2 semaphore(%dma_wait3A_359 : memref<!tpu.dma_semaphore, #tpu.memory_space<semaphore_mem>>) src(%dma_wait3A_367 : memref<8x128xf32, #tpu.memory_space<vmem>>) dst(%dma_wait3A_363 : memref<8x128xf32, #tpu.memory_space<hbm>>)
        %dma_wait3A_368 = arith.constant 1 : i32
        %dma_wait3A_369 = arith.constant 1 : i32
        %dma_wait3A_370 = arith.constant 0 : i32
        %dma_wait3A_371 = arith.constant 0 : i32
        %dma_wait3A_372 = tpu.memref_slice %arg7[%rem3A_117, %dma_wait3A_368, %dma_wait3A_370, %dma_wait3A_371] : memref<4x8x8x132xf32, #tpu.memory_space<vmem>> -> memref<1x1x8x128xf32, #tpu.memory_space<vmem>>
        %dma_wait3A_373 = tpu.memref_squeeze %dma_wait3A_372 : memref<1x1x8x128xf32, #tpu.memory_space<vmem>> -> memref<8x128xf32, #tpu.memory_space<vmem>>
        %dma_wait3A_374 = arith.constant 0 : i32
        %dma_wait3A_375 = arith.constant 0 : i32
        %dma_wait3A_376 = tpu.memref_slice %arg4[%select_n3A_345, %dma_wait3A_369, %rem3A_347, %dma_wait3A_374, %dma_wait3A_375] : memref<50x8x128x8x128xf32, #tpu.memory_space<hbm>> -> memref<1x1x1x8x128xf32, #tpu.memory_space<hbm>>
        %dma_wait3A_377 = tpu.memref_squeeze %dma_wait3A_376 : memref<1x1x1x8x128xf32, #tpu.memory_space<hbm>> -> memref<8x128xf32, #tpu.memory_space<hbm>>
        %dma_wait3A_378 = tpu.memref_slice %arg9[%rem3A_117] : memref<4x!tpu.dma_semaphore, #tpu.memory_space<semaphore_mem>> -> memref<1x!tpu.dma_semaphore, #tpu.memory_space<semaphore_mem>>
        %dma_wait3A_379 = tpu.memref_squeeze %dma_wait3A_378 : memref<1x!tpu.dma_semaphore, #tpu.memory_space<semaphore_mem>> -> memref<!tpu.dma_semaphore, #tpu.memory_space<semaphore_mem>>
        %dma_wait3A_380 = arith.constant 0 : i32
        %dma_wait3A_381 = arith.constant 0 : i32
        %dma_wait3A_382 = tpu.memref_slice %arg4[%select_n3A_345, %dma_wait3A_369, %rem3A_347, %dma_wait3A_380, %dma_wait3A_381] : memref<50x8x128x8x128xf32, #tpu.memory_space<hbm>> -> memref<1x1x1x8x128xf32, #tpu.memory_space<hbm>>
        %dma_wait3A_383 = tpu.memref_squeeze %dma_wait3A_382 : memref<1x1x1x8x128xf32, #tpu.memory_space<hbm>> -> memref<8x128xf32, #tpu.memory_space<hbm>>
        %dma_wait3A_384 = arith.constant 0 : i32
        %dma_wait3A_385 = arith.constant 0 : i32
        %dma_wait3A_386 = tpu.memref_slice %arg7[%rem3A_117, %dma_wait3A_368, %dma_wait3A_384, %dma_wait3A_385] : memref<4x8x8x132xf32, #tpu.memory_space<vmem>> -> memref<1x1x8x128xf32, #tpu.memory_space<vmem>>
        %dma_wait3A_387 = tpu.memref_squeeze %dma_wait3A_386 : memref<1x1x8x128xf32, #tpu.memory_space<vmem>> -> memref<8x128xf32, #tpu.memory_space<vmem>>
        tpu.wait_dma2 semaphore(%dma_wait3A_379 : memref<!tpu.dma_semaphore, #tpu.memory_space<semaphore_mem>>) src(%dma_wait3A_387 : memref<8x128xf32, #tpu.memory_space<vmem>>) dst(%dma_wait3A_383 : memref<8x128xf32, #tpu.memory_space<hbm>>)
        %dma_wait3A_388 = arith.constant 2 : i32
        %dma_wait3A_389 = arith.constant 2 : i32
        %dma_wait3A_390 = arith.constant 0 : i32
        %dma_wait3A_391 = arith.constant 0 : i32
        %dma_wait3A_392 = tpu.memref_slice %arg7[%rem3A_117, %dma_wait3A_388, %dma_wait3A_390, %dma_wait3A_391] : memref<4x8x8x132xf32, #tpu.memory_space<vmem>> -> memref<1x1x8x128xf32, #tpu.memory_space<vmem>>
        %dma_wait3A_393 = tpu.memref_squeeze %dma_wait3A_392 : memref<1x1x8x128xf32, #tpu.memory_space<vmem>> -> memref<8x128xf32, #tpu.memory_space<vmem>>
        %dma_wait3A_394 = arith.constant 0 : i32
        %dma_wait3A_395 = arith.constant 0 : i32
        %dma_wait3A_396 = tpu.memref_slice %arg4[%select_n3A_345, %dma_wait3A_389, %rem3A_347, %dma_wait3A_394, %dma_wait3A_395] : memref<50x8x128x8x128xf32, #tpu.memory_space<hbm>> -> memref<1x1x1x8x128xf32, #tpu.memory_space<hbm>>
        %dma_wait3A_397 = tpu.memref_squeeze %dma_wait3A_396 : memref<1x1x1x8x128xf32, #tpu.memory_space<hbm>> -> memref<8x128xf32, #tpu.memory_space<hbm>>
        %dma_wait3A_398 = tpu.memref_slice %arg9[%rem3A_117] : memref<4x!tpu.dma_semaphore, #tpu.memory_space<semaphore_mem>> -> memref<1x!tpu.dma_semaphore, #tpu.memory_space<semaphore_mem>>
        %dma_wait3A_399 = tpu.memref_squeeze %dma_wait3A_398 : memref<1x!tpu.dma_semaphore, #tpu.memory_space<semaphore_mem>> -> memref<!tpu.dma_semaphore, #tpu.memory_space<semaphore_mem>>
        %dma_wait3A_400 = arith.constant 0 : i32
        %dma_wait3A_401 = arith.constant 0 : i32
        %dma_wait3A_402 = tpu.memref_slice %arg4[%select_n3A_345, %dma_wait3A_389, %rem3A_347, %dma_wait3A_400, %dma_wait3A_401] : memref<50x8x128x8x128xf32, #tpu.memory_space<hbm>> -> memref<1x1x1x8x128xf32, #tpu.memory_space<hbm>>
        %dma_wait3A_403 = tpu.memref_squeeze %dma_wait3A_402 : memref<1x1x1x8x128xf32, #tpu.memory_space<hbm>> -> memref<8x128xf32, #tpu.memory_space<hbm>>
        %dma_wait3A_404 = arith.constant 0 : i32
        %dma_wait3A_405 = arith.constant 0 : i32
        %dma_wait3A_406 = tpu.memref_slice %arg7[%rem3A_117, %dma_wait3A_388, %dma_wait3A_404, %dma_wait3A_405] : memref<4x8x8x132xf32, #tpu.memory_space<vmem>> -> memref<1x1x8x128xf32, #tpu.memory_space<vmem>>
        %dma_wait3A_407 = tpu.memref_squeeze %dma_wait3A_406 : memref<1x1x8x128xf32, #tpu.memory_space<vmem>> -> memref<8x128xf32, #tpu.memory_space<vmem>>
        tpu.wait_dma2 semaphore(%dma_wait3A_399 : memref<!tpu.dma_semaphore, #tpu.memory_space<semaphore_mem>>) src(%dma_wait3A_407 : memref<8x128xf32, #tpu.memory_space<vmem>>) dst(%dma_wait3A_403 : memref<8x128xf32, #tpu.memory_space<hbm>>)
        %dma_wait3A_408 = arith.constant 3 : i32
        %dma_wait3A_409 = arith.constant 3 : i32
        %dma_wait3A_410 = arith.constant 0 : i32
        %dma_wait3A_411 = arith.constant 0 : i32
        %dma_wait3A_412 = tpu.memref_slice %arg7[%rem3A_117, %dma_wait3A_408, %dma_wait3A_410, %dma_wait3A_411] : memref<4x8x8x132xf32, #tpu.memory_space<vmem>> -> memref<1x1x8x128xf32, #tpu.memory_space<vmem>>
        %dma_wait3A_413 = tpu.memref_squeeze %dma_wait3A_412 : memref<1x1x8x128xf32, #tpu.memory_space<vmem>> -> memref<8x128xf32, #tpu.memory_space<vmem>>
        %dma_wait3A_414 = arith.constant 0 : i32
        %dma_wait3A_415 = arith.constant 0 : i32
        %dma_wait3A_416 = tpu.memref_slice %arg4[%select_n3A_345, %dma_wait3A_409, %rem3A_347, %dma_wait3A_414, %dma_wait3A_415] : memref<50x8x128x8x128xf32, #tpu.memory_space<hbm>> -> memref<1x1x1x8x128xf32, #tpu.memory_space<hbm>>
        %dma_wait3A_417 = tpu.memref_squeeze %dma_wait3A_416 : memref<1x1x1x8x128xf32, #tpu.memory_space<hbm>> -> memref<8x128xf32, #tpu.memory_space<hbm>>
        %dma_wait3A_418 = tpu.memref_slice %arg9[%rem3A_117] : memref<4x!tpu.dma_semaphore, #tpu.memory_space<semaphore_mem>> -> memref<1x!tpu.dma_semaphore, #tpu.memory_space<semaphore_mem>>
        %dma_wait3A_419 = tpu.memref_squeeze %dma_wait3A_418 : memref<1x!tpu.dma_semaphore, #tpu.memory_space<semaphore_mem>> -> memref<!tpu.dma_semaphore, #tpu.memory_space<semaphore_mem>>
        %dma_wait3A_420 = arith.constant 0 : i32
        %dma_wait3A_421 = arith.constant 0 : i32
        %dma_wait3A_422 = tpu.memref_slice %arg4[%select_n3A_345, %dma_wait3A_409, %rem3A_347, %dma_wait3A_420, %dma_wait3A_421] : memref<50x8x128x8x128xf32, #tpu.memory_space<hbm>> -> memref<1x1x1x8x128xf32, #tpu.memory_space<hbm>>
        %dma_wait3A_423 = tpu.memref_squeeze %dma_wait3A_422 : memref<1x1x1x8x128xf32, #tpu.memory_space<hbm>> -> memref<8x128xf32, #tpu.memory_space<hbm>>
        %dma_wait3A_424 = arith.constant 0 : i32
        %dma_wait3A_425 = arith.constant 0 : i32
        %dma_wait3A_426 = tpu.memref_slice %arg7[%rem3A_117, %dma_wait3A_408, %dma_wait3A_424, %dma_wait3A_425] : memref<4x8x8x132xf32, #tpu.memory_space<vmem>> -> memref<1x1x8x128xf32, #tpu.memory_space<vmem>>
        %dma_wait3A_427 = tpu.memref_squeeze %dma_wait3A_426 : memref<1x1x8x128xf32, #tpu.memory_space<vmem>> -> memref<8x128xf32, #tpu.memory_space<vmem>>
        tpu.wait_dma2 semaphore(%dma_wait3A_419 : memref<!tpu.dma_semaphore, #tpu.memory_space<semaphore_mem>>) src(%dma_wait3A_427 : memref<8x128xf32, #tpu.memory_space<vmem>>) dst(%dma_wait3A_423 : memref<8x128xf32, #tpu.memory_space<hbm>>)
        %dma_wait3A_428 = arith.constant 4 : i32
        %dma_wait3A_429 = arith.constant 4 : i32
        %dma_wait3A_430 = arith.constant 0 : i32
        %dma_wait3A_431 = arith.constant 0 : i32
        %dma_wait3A_432 = tpu.memref_slice %arg7[%rem3A_117, %dma_wait3A_428, %dma_wait3A_430, %dma_wait3A_431] : memref<4x8x8x132xf32, #tpu.memory_space<vmem>> -> memref<1x1x8x128xf32, #tpu.memory_space<vmem>>
        %dma_wait3A_433 = tpu.memref_squeeze %dma_wait3A_432 : memref<1x1x8x128xf32, #tpu.memory_space<vmem>> -> memref<8x128xf32, #tpu.memory_space<vmem>>
        %dma_wait3A_434 = arith.constant 0 : i32
        %dma_wait3A_435 = arith.constant 0 : i32
        %dma_wait3A_436 = tpu.memref_slice %arg4[%select_n3A_345, %dma_wait3A_429, %rem3A_347, %dma_wait3A_434, %dma_wait3A_435] : memref<50x8x128x8x128xf32, #tpu.memory_space<hbm>> -> memref<1x1x1x8x128xf32, #tpu.memory_space<hbm>>
        %dma_wait3A_437 = tpu.memref_squeeze %dma_wait3A_436 : memref<1x1x1x8x128xf32, #tpu.memory_space<hbm>> -> memref<8x128xf32, #tpu.memory_space<hbm>>
        %dma_wait3A_438 = tpu.memref_slice %arg9[%rem3A_117] : memref<4x!tpu.dma_semaphore, #tpu.memory_space<semaphore_mem>> -> memref<1x!tpu.dma_semaphore, #tpu.memory_space<semaphore_mem>>
        %dma_wait3A_439 = tpu.memref_squeeze %dma_wait3A_438 : memref<1x!tpu.dma_semaphore, #tpu.memory_space<semaphore_mem>> -> memref<!tpu.dma_semaphore, #tpu.memory_space<semaphore_mem>>
        %dma_wait3A_440 = arith.constant 0 : i32
        %dma_wait3A_441 = arith.constant 0 : i32
        %dma_wait3A_442 = tpu.memref_slice %arg4[%select_n3A_345, %dma_wait3A_429, %rem3A_347, %dma_wait3A_440, %dma_wait3A_441] : memref<50x8x128x8x128xf32, #tpu.memory_space<hbm>> -> memref<1x1x1x8x128xf32, #tpu.memory_space<hbm>>
        %dma_wait3A_443 = tpu.memref_squeeze %dma_wait3A_442 : memref<1x1x1x8x128xf32, #tpu.memory_space<hbm>> -> memref<8x128xf32, #tpu.memory_space<hbm>>
        %dma_wait3A_444 = arith.constant 0 : i32
        %dma_wait3A_445 = arith.constant 0 : i32
        %dma_wait3A_446 = tpu.memref_slice %arg7[%rem3A_117, %dma_wait3A_428, %dma_wait3A_444, %dma_wait3A_445] : memref<4x8x8x132xf32, #tpu.memory_space<vmem>> -> memref<1x1x8x128xf32, #tpu.memory_space<vmem>>
        %dma_wait3A_447 = tpu.memref_squeeze %dma_wait3A_446 : memref<1x1x8x128xf32, #tpu.memory_space<vmem>> -> memref<8x128xf32, #tpu.memory_space<vmem>>
        tpu.wait_dma2 semaphore(%dma_wait3A_439 : memref<!tpu.dma_semaphore, #tpu.memory_space<semaphore_mem>>) src(%dma_wait3A_447 : memref<8x128xf32, #tpu.memory_space<vmem>>) dst(%dma_wait3A_443 : memref<8x128xf32, #tpu.memory_space<hbm>>)
        %dma_wait3A_448 = arith.constant 5 : i32
        %dma_wait3A_449 = arith.constant 5 : i32
        %dma_wait3A_450 = arith.constant 0 : i32
        %dma_wait3A_451 = arith.constant 0 : i32
        %dma_wait3A_452 = tpu.memref_slice %arg7[%rem3A_117, %dma_wait3A_448, %dma_wait3A_450, %dma_wait3A_451] : memref<4x8x8x132xf32, #tpu.memory_space<vmem>> -> memref<1x1x8x128xf32, #tpu.memory_space<vmem>>
        %dma_wait3A_453 = tpu.memref_squeeze %dma_wait3A_452 : memref<1x1x8x128xf32, #tpu.memory_space<vmem>> -> memref<8x128xf32, #tpu.memory_space<vmem>>
        %dma_wait3A_454 = arith.constant 0 : i32
        %dma_wait3A_455 = arith.constant 0 : i32
        %dma_wait3A_456 = tpu.memref_slice %arg4[%select_n3A_345, %dma_wait3A_449, %rem3A_347, %dma_wait3A_454, %dma_wait3A_455] : memref<50x8x128x8x128xf32, #tpu.memory_space<hbm>> -> memref<1x1x1x8x128xf32, #tpu.memory_space<hbm>>
        %dma_wait3A_457 = tpu.memref_squeeze %dma_wait3A_456 : memref<1x1x1x8x128xf32, #tpu.memory_space<hbm>> -> memref<8x128xf32, #tpu.memory_space<hbm>>
        %dma_wait3A_458 = tpu.memref_slice %arg9[%rem3A_117] : memref<4x!tpu.dma_semaphore, #tpu.memory_space<semaphore_mem>> -> memref<1x!tpu.dma_semaphore, #tpu.memory_space<semaphore_mem>>
        %dma_wait3A_459 = tpu.memref_squeeze %dma_wait3A_458 : memref<1x!tpu.dma_semaphore, #tpu.memory_space<semaphore_mem>> -> memref<!tpu.dma_semaphore, #tpu.memory_space<semaphore_mem>>
        %dma_wait3A_460 = arith.constant 0 : i32
        %dma_wait3A_461 = arith.constant 0 : i32
        %dma_wait3A_462 = tpu.memref_slice %arg4[%select_n3A_345, %dma_wait3A_449, %rem3A_347, %dma_wait3A_460, %dma_wait3A_461] : memref<50x8x128x8x128xf32, #tpu.memory_space<hbm>> -> memref<1x1x1x8x128xf32, #tpu.memory_space<hbm>>
        %dma_wait3A_463 = tpu.memref_squeeze %dma_wait3A_462 : memref<1x1x1x8x128xf32, #tpu.memory_space<hbm>> -> memref<8x128xf32, #tpu.memory_space<hbm>>
        %dma_wait3A_464 = arith.constant 0 : i32
        %dma_wait3A_465 = arith.constant 0 : i32
        %dma_wait3A_466 = tpu.memref_slice %arg7[%rem3A_117, %dma_wait3A_448, %dma_wait3A_464, %dma_wait3A_465] : memref<4x8x8x132xf32, #tpu.memory_space<vmem>> -> memref<1x1x8x128xf32, #tpu.memory_space<vmem>>
        %dma_wait3A_467 = tpu.memref_squeeze %dma_wait3A_466 : memref<1x1x8x128xf32, #tpu.memory_space<vmem>> -> memref<8x128xf32, #tpu.memory_space<vmem>>
        tpu.wait_dma2 semaphore(%dma_wait3A_459 : memref<!tpu.dma_semaphore, #tpu.memory_space<semaphore_mem>>) src(%dma_wait3A_467 : memref<8x128xf32, #tpu.memory_space<vmem>>) dst(%dma_wait3A_463 : memref<8x128xf32, #tpu.memory_space<hbm>>)
        %dma_wait3A_468 = arith.constant 6 : i32
        %dma_wait3A_469 = arith.constant 6 : i32
        %dma_wait3A_470 = arith.constant 0 : i32
        %dma_wait3A_471 = arith.constant 0 : i32
        %dma_wait3A_472 = tpu.memref_slice %arg7[%rem3A_117, %dma_wait3A_468, %dma_wait3A_470, %dma_wait3A_471] : memref<4x8x8x132xf32, #tpu.memory_space<vmem>> -> memref<1x1x8x128xf32, #tpu.memory_space<vmem>>
        %dma_wait3A_473 = tpu.memref_squeeze %dma_wait3A_472 : memref<1x1x8x128xf32, #tpu.memory_space<vmem>> -> memref<8x128xf32, #tpu.memory_space<vmem>>
        %dma_wait3A_474 = arith.constant 0 : i32
        %dma_wait3A_475 = arith.constant 0 : i32
        %dma_wait3A_476 = tpu.memref_slice %arg4[%select_n3A_345, %dma_wait3A_469, %rem3A_347, %dma_wait3A_474, %dma_wait3A_475] : memref<50x8x128x8x128xf32, #tpu.memory_space<hbm>> -> memref<1x1x1x8x128xf32, #tpu.memory_space<hbm>>
        %dma_wait3A_477 = tpu.memref_squeeze %dma_wait3A_476 : memref<1x1x1x8x128xf32, #tpu.memory_space<hbm>> -> memref<8x128xf32, #tpu.memory_space<hbm>>
        %dma_wait3A_478 = tpu.memref_slice %arg9[%rem3A_117] : memref<4x!tpu.dma_semaphore, #tpu.memory_space<semaphore_mem>> -> memref<1x!tpu.dma_semaphore, #tpu.memory_space<semaphore_mem>>
        %dma_wait3A_479 = tpu.memref_squeeze %dma_wait3A_478 : memref<1x!tpu.dma_semaphore, #tpu.memory_space<semaphore_mem>> -> memref<!tpu.dma_semaphore, #tpu.memory_space<semaphore_mem>>
        %dma_wait3A_480 = arith.constant 0 : i32
        %dma_wait3A_481 = arith.constant 0 : i32
        %dma_wait3A_482 = tpu.memref_slice %arg4[%select_n3A_345, %dma_wait3A_469, %rem3A_347, %dma_wait3A_480, %dma_wait3A_481] : memref<50x8x128x8x128xf32, #tpu.memory_space<hbm>> -> memref<1x1x1x8x128xf32, #tpu.memory_space<hbm>>
        %dma_wait3A_483 = tpu.memref_squeeze %dma_wait3A_482 : memref<1x1x1x8x128xf32, #tpu.memory_space<hbm>> -> memref<8x128xf32, #tpu.memory_space<hbm>>
        %dma_wait3A_484 = arith.constant 0 : i32
        %dma_wait3A_485 = arith.constant 0 : i32
        %dma_wait3A_486 = tpu.memref_slice %arg7[%rem3A_117, %dma_wait3A_468, %dma_wait3A_484, %dma_wait3A_485] : memref<4x8x8x132xf32, #tpu.memory_space<vmem>> -> memref<1x1x8x128xf32, #tpu.memory_space<vmem>>
        %dma_wait3A_487 = tpu.memref_squeeze %dma_wait3A_486 : memref<1x1x8x128xf32, #tpu.memory_space<vmem>> -> memref<8x128xf32, #tpu.memory_space<vmem>>
        tpu.wait_dma2 semaphore(%dma_wait3A_479 : memref<!tpu.dma_semaphore, #tpu.memory_space<semaphore_mem>>) src(%dma_wait3A_487 : memref<8x128xf32, #tpu.memory_space<vmem>>) dst(%dma_wait3A_483 : memref<8x128xf32, #tpu.memory_space<hbm>>)
        %dma_wait3A_488 = arith.constant 7 : i32
        %dma_wait3A_489 = arith.constant 7 : i32
        %dma_wait3A_490 = arith.constant 0 : i32
        %dma_wait3A_491 = arith.constant 0 : i32
        %dma_wait3A_492 = tpu.memref_slice %arg7[%rem3A_117, %dma_wait3A_488, %dma_wait3A_490, %dma_wait3A_491] : memref<4x8x8x132xf32, #tpu.memory_space<vmem>> -> memref<1x1x8x128xf32, #tpu.memory_space<vmem>>
        %dma_wait3A_493 = tpu.memref_squeeze %dma_wait3A_492 : memref<1x1x8x128xf32, #tpu.memory_space<vmem>> -> memref<8x128xf32, #tpu.memory_space<vmem>>
        %dma_wait3A_494 = arith.constant 0 : i32
        %dma_wait3A_495 = arith.constant 0 : i32
        %dma_wait3A_496 = tpu.memref_slice %arg4[%select_n3A_345, %dma_wait3A_489, %rem3A_347, %dma_wait3A_494, %dma_wait3A_495] : memref<50x8x128x8x128xf32, #tpu.memory_space<hbm>> -> memref<1x1x1x8x128xf32, #tpu.memory_space<hbm>>
        %dma_wait3A_497 = tpu.memref_squeeze %dma_wait3A_496 : memref<1x1x1x8x128xf32, #tpu.memory_space<hbm>> -> memref<8x128xf32, #tpu.memory_space<hbm>>
        %dma_wait3A_498 = tpu.memref_slice %arg9[%rem3A_117] : memref<4x!tpu.dma_semaphore, #tpu.memory_space<semaphore_mem>> -> memref<1x!tpu.dma_semaphore, #tpu.memory_space<semaphore_mem>>
        %dma_wait3A_499 = tpu.memref_squeeze %dma_wait3A_498 : memref<1x!tpu.dma_semaphore, #tpu.memory_space<semaphore_mem>> -> memref<!tpu.dma_semaphore, #tpu.memory_space<semaphore_mem>>
        %dma_wait3A_500 = arith.constant 0 : i32
        %dma_wait3A_501 = arith.constant 0 : i32
        %dma_wait3A_502 = tpu.memref_slice %arg4[%select_n3A_345, %dma_wait3A_489, %rem3A_347, %dma_wait3A_500, %dma_wait3A_501] : memref<50x8x128x8x128xf32, #tpu.memory_space<hbm>> -> memref<1x1x1x8x128xf32, #tpu.memory_space<hbm>>
        %dma_wait3A_503 = tpu.memref_squeeze %dma_wait3A_502 : memref<1x1x1x8x128xf32, #tpu.memory_space<hbm>> -> memref<8x128xf32, #tpu.memory_space<hbm>>
        %dma_wait3A_504 = arith.constant 0 : i32
        %dma_wait3A_505 = arith.constant 0 : i32
        %dma_wait3A_506 = tpu.memref_slice %arg7[%rem3A_117, %dma_wait3A_488, %dma_wait3A_504, %dma_wait3A_505] : memref<4x8x8x132xf32, #tpu.memory_space<vmem>> -> memref<1x1x8x128xf32, #tpu.memory_space<vmem>>
        %dma_wait3A_507 = tpu.memref_squeeze %dma_wait3A_506 : memref<1x1x8x128xf32, #tpu.memory_space<vmem>> -> memref<8x128xf32, #tpu.memory_space<vmem>>
        tpu.wait_dma2 semaphore(%dma_wait3A_499 : memref<!tpu.dma_semaphore, #tpu.memory_space<semaphore_mem>>) src(%dma_wait3A_507 : memref<8x128xf32, #tpu.memory_space<vmem>>) dst(%dma_wait3A_503 : memref<8x128xf32, #tpu.memory_space<hbm>>)
      } else {
      }
      %parallel_loop3A = arith.constant 0 : i32
      %parallel_loop3A_131 = arith.constant 128 : i32
      %parallel_loop3A_132 = arith.constant 1 : i32
      scf.for %parallel_loop3A_319 = %parallel_loop3A to %parallel_loop3A_131 step %parallel_loop3A_132  : i32 {
        %parallel_loop3A_320 = vector.broadcast %parallel_loop3A_319 : i32 to vector<16xi32>
        %parallel_loop3A_321 = arith.index_cast %rem3A_117 : i32 to index
        %parallel_loop3A_322 = arith.index_cast %parallel_loop3A_319 : i32 to index
        %parallel_loop3A_323 = arith.constant 0 : index
        %parallel_loop3A_324 = tpu.vector_load %arg6[%parallel_loop3A_321, %parallel_loop3A_322, %parallel_loop3A_323] {strides = array<i32>} : memref<4x128x128xf32, #tpu.memory_space<vmem>>, vector<16xf32>,
        %parallel_loop3A_325 = arith.constant 0 : i32
        %parallel_loop3A_326 = arith.constant 0 : i32
        %parallel_loop3A_327 = arith.constant 0 : i32
        %parallel_loop3A_328 = tpu.memref_slice %arg7[%rem3A_117, %parallel_loop3A_325, %parallel_loop3A_326, %parallel_loop3A_327] : memref<4x8x8x132xf32, #tpu.memory_space<vmem>> -> memref<1x8x8x132xf32, #tpu.memory_space<vmem>>
        %parallel_loop3A_329 = tpu.memref_squeeze %parallel_loop3A_328 : memref<1x8x8x132xf32, #tpu.memory_space<vmem>> -> memref<8x8x132xf32, #tpu.memory_space<vmem>>
        tpu.vector_store_idx %parallel_loop3A_329[%shift_right_logical3A_9, %and3A_32, %parallel_loop3A_320], %parallel_loop3A_324 : memref<8x8x132xf32, #tpu.memory_space<vmem>>[vector<16xi32>, vector<16xi32>, vector<16xi32>], vector<16xf32>,
        %parallel_loop3A_330 = arith.index_cast %rem3A_117 : i32 to index
        %parallel_loop3A_331 = arith.index_cast %parallel_loop3A_319 : i32 to index
        %parallel_loop3A_332 = arith.constant 16 : index
        %parallel_loop3A_333 = tpu.vector_load %arg6[%parallel_loop3A_330, %parallel_loop3A_331, %parallel_loop3A_332] {strides = array<i32>} : memref<4x128x128xf32, #tpu.memory_space<vmem>>, vector<16xf32>,
        %parallel_loop3A_334 = arith.constant 0 : i32
        %parallel_loop3A_335 = arith.constant 0 : i32
        %parallel_loop3A_336 = arith.constant 0 : i32
        %parallel_loop3A_337 = tpu.memref_slice %arg7[%rem3A_117, %parallel_loop3A_334, %parallel_loop3A_335, %parallel_loop3A_336] : memref<4x8x8x132xf32, #tpu.memory_space<vmem>> -> memref<1x8x8x132xf32, #tpu.memory_space<vmem>>
        %parallel_loop3A_338 = tpu.memref_squeeze %parallel_loop3A_337 : memref<1x8x8x132xf32, #tpu.memory_space<vmem>> -> memref<8x8x132xf32, #tpu.memory_space<vmem>>
        tpu.vector_store_idx %parallel_loop3A_338[%shift_right_logical3A_15, %and3A_38, %parallel_loop3A_320], %parallel_loop3A_333 : memref<8x8x132xf32, #tpu.memory_space<vmem>>[vector<16xi32>, vector<16xi32>, vector<16xi32>], vector<16xf32>,
        %parallel_loop3A_339 = arith.index_cast %rem3A_117 : i32 to index
        %parallel_loop3A_340 = arith.index_cast %parallel_loop3A_319 : i32 to index
        %parallel_loop3A_341 = arith.constant 32 : index
        %parallel_loop3A_342 = tpu.vector_load %arg6[%parallel_loop3A_339, %parallel_loop3A_340, %parallel_loop3A_341] {strides = array<i32>} : memref<4x128x128xf32, #tpu.memory_space<vmem>>, vector<16xf32>,
        %parallel_loop3A_343 = arith.constant 0 : i32
        %parallel_loop3A_344 = arith.constant 0 : i32
        %parallel_loop3A_345 = arith.constant 0 : i32
        %parallel_loop3A_346 = tpu.memref_slice %arg7[%rem3A_117, %parallel_loop3A_343, %parallel_loop3A_344, %parallel_loop3A_345] : memref<4x8x8x132xf32, #tpu.memory_space<vmem>> -> memref<1x8x8x132xf32, #tpu.memory_space<vmem>>
        %parallel_loop3A_347 = tpu.memref_squeeze %parallel_loop3A_346 : memref<1x8x8x132xf32, #tpu.memory_space<vmem>> -> memref<8x8x132xf32, #tpu.memory_space<vmem>>
        tpu.vector_store_idx %parallel_loop3A_347[%shift_right_logical3A_21, %and3A_44, %parallel_loop3A_320], %parallel_loop3A_342 : memref<8x8x132xf32, #tpu.memory_space<vmem>>[vector<16xi32>, vector<16xi32>, vector<16xi32>], vector<16xf32>,
        %parallel_loop3A_348 = arith.index_cast %rem3A_117 : i32 to index
        %parallel_loop3A_349 = arith.index_cast %parallel_loop3A_319 : i32 to index
        %parallel_loop3A_350 = arith.constant 48 : index
        %parallel_loop3A_351 = tpu.vector_load %arg6[%parallel_loop3A_348, %parallel_loop3A_349, %parallel_loop3A_350] {strides = array<i32>} : memref<4x128x128xf32, #tpu.memory_space<vmem>>, vector<16xf32>,
        %parallel_loop3A_352 = arith.constant 0 : i32
        %parallel_loop3A_353 = arith.constant 0 : i32
        %parallel_loop3A_354 = arith.constant 0 : i32
        %parallel_loop3A_355 = tpu.memref_slice %arg7[%rem3A_117, %parallel_loop3A_352, %parallel_loop3A_353, %parallel_loop3A_354] : memref<4x8x8x132xf32, #tpu.memory_space<vmem>> -> memref<1x8x8x132xf32, #tpu.memory_space<vmem>>
        %parallel_loop3A_356 = tpu.memref_squeeze %parallel_loop3A_355 : memref<1x8x8x132xf32, #tpu.memory_space<vmem>> -> memref<8x8x132xf32, #tpu.memory_space<vmem>>
        tpu.vector_store_idx %parallel_loop3A_356[%shift_right_logical3A_27, %and3A_50, %parallel_loop3A_320], %parallel_loop3A_351 : memref<8x8x132xf32, #tpu.memory_space<vmem>>[vector<16xi32>, vector<16xi32>, vector<16xi32>], vector<16xf32>,
      } {sc.loop_unroll_factor = 1 : i64, sc.parallel_access}
      %lt3A = arith.constant 196 : i32
      %lt3A_133 = arith.cmpi slt, %scan3A_115, %lt3A : i32
      %convert_element_type3A_134 = arith.extui %lt3A_133 : i1 to i32
      %cond3A_135 = arith.constant 0 : i32
      %cond3A_136 = arith.cmpi ne, %convert_element_type3A_134, %cond3A_135 : i32
      scf.if %cond3A_136 {
        %add3A_319 = arith.constant 4 : i32
        %add3A_320 = arith.addi %scan3A_115, %add3A_319 : i32
        %mul3A_321 = arith.constant 128 : i32
        %mul3A_322 = arith.muli %add3A_320, %mul3A_321 : i32
        %dma_start3A_323 = arith.constant 0 : i32
        %dma_start3A_324 = arith.constant 0 : i32
        %dma_start3A_325 = tpu.memref_slice %arg6[%rem3A_117, %dma_start3A_323, %dma_start3A_324] : memref<4x128x128xf32, #tpu.memory_space<vmem>> -> memref<1x128x128xf32, #tpu.memory_space<vmem>>
        %dma_start3A_326 = tpu.memref_squeeze %dma_start3A_325 : memref<1x128x128xf32, #tpu.memory_space<vmem>> -> memref<128x128xf32, #tpu.memory_space<vmem>>
        %dma_start3A_327 = tpu.memref_slice %arg5[%mul3A_322] : memref<25600xi32, #tpu.memory_space<vmem>> -> memref<128xi32, #tpu.memory_space<vmem>>
        %dma_start3A_328 = arith.constant 0 : i32
        %dma_start3A_329 = arith.constant 0 : i32
        %dma_start3A_330 = tpu.memref_slice %arg2[%dma_start3A_328, %dma_start3A_329] : memref<1000000x128xf32, #tpu.memory_space<hbm>> -> memref<1000000x128xf32, #tpu.memory_space<hbm>>
        %dma_start3A_331 = tpu.memref_slice %arg8[%rem3A_117] : memref<4x!tpu.dma_semaphore, #tpu.memory_space<semaphore_mem>> -> memref<1x!tpu.dma_semaphore, #tpu.memory_space<semaphore_mem>>
        %dma_start3A_332 = tpu.memref_squeeze %dma_start3A_331 : memref<1x!tpu.dma_semaphore, #tpu.memory_space<semaphore_mem>> -> memref<!tpu.dma_semaphore, #tpu.memory_space<semaphore_mem>>
        tpu.enqueue_indirect_dma source(%dma_start3A_330 : memref<1000000x128xf32, #tpu.memory_space<hbm>>) target(%dma_start3A_326 : memref<128x128xf32, #tpu.memory_space<vmem>>) offsets(%dma_start3A_327 : memref<128xi32, #tpu.memory_space<vmem>>) semaphore(%dma_start3A_332 : memref<!tpu.dma_semaphore, #tpu.memory_space<semaphore_mem>>)
      } else {
      }
      %add3A_137 = arith.addi %mul3A_2, %scan3A_115 : i32
      %jit3A = arith.constant 128 : i32
      %div3A = arith.divsi %add3A_137, %jit3A : i32
      %sign3A = arith.constant 0 : i32
      %sign3A_138 = arith.cmpi sgt, %add3A_137, %sign3A : i32
      %sign3A_139 = arith.extui %sign3A_138 : i1 to i32
      %sign3A_140 = arith.constant 0 : i32
      %sign3A_141 = arith.cmpi slt, %add3A_137, %sign3A_140 : i32
      %sign3A_142 = arith.extui %sign3A_141 : i1 to i32
      %sign3A_143 = arith.subi %sign3A_139, %sign3A_142 : i32
      %sign3A_144 = arith.constant 0 : i32
      %sign3A_145 = arith.cmpi sgt, %jit3A, %sign3A_144 : i32
      %sign3A_146 = arith.extui %sign3A_145 : i1 to i32
      %sign3A_147 = arith.constant 0 : i32
      %sign3A_148 = arith.cmpi slt, %jit3A, %sign3A_147 : i32
      %sign3A_149 = arith.extui %sign3A_148 : i1 to i32
      %sign3A_150 = arith.subi %sign3A_146, %sign3A_149 : i32
      %ne3A = arith.cmpi ne, %sign3A_143, %sign3A_150 : i32
      %rem3A_151 = arith.remsi %add3A_137, %jit3A : i32
      %ne3A_152 = arith.constant 0 : i32
      %ne3A_153 = arith.cmpi ne, %rem3A_151, %ne3A_152 : i32
      %and3A_154 = arith.andi %ne3A, %ne3A_153 : i1
      %sub3A = arith.constant 1 : i32
      %sub3A_155 = arith.subi %div3A, %sub3A : i32
      %select_n3A = arith.select %and3A_154, %sub3A_155, %div3A : i32
      %rem3A_156 = arith.constant 128 : i32
      %rem3A_157 = arith.remsi %add3A_137, %rem3A_156 : i32
      %dma_start3A_158 = arith.constant 0 : i32
      %dma_start3A_159 = arith.constant 0 : i32
      %dma_start3A_160 = arith.constant 0 : i32
      %dma_start3A_161 = arith.constant 0 : i32
      %dma_start3A_162 = tpu.memref_slice %arg7[%rem3A_117, %dma_start3A_158, %dma_start3A_160, %dma_start3A_161] : memref<4x8x8x132xf32, #tpu.memory_space<vmem>> -> memref<1x1x8x128xf32, #tpu.memory_space<vmem>>
      %dma_start3A_163 = tpu.memref_squeeze %dma_start3A_162 : memref<1x1x8x128xf32, #tpu.memory_space<vmem>> -> memref<8x128xf32, #tpu.memory_space<vmem>>
      %dma_start3A_164 = arith.constant 0 : i32
      %dma_start3A_165 = arith.constant 0 : i32
      %dma_start3A_166 = tpu.memref_slice %arg4[%select_n3A, %dma_start3A_159, %rem3A_157, %dma_start3A_164, %dma_start3A_165] : memref<50x8x128x8x128xf32, #tpu.memory_space<hbm>> -> memref<1x1x1x8x128xf32, #tpu.memory_space<hbm>>
      %dma_start3A_167 = tpu.memref_squeeze %dma_start3A_166 : memref<1x1x1x8x128xf32, #tpu.memory_space<hbm>> -> memref<8x128xf32, #tpu.memory_space<hbm>>
      %dma_start3A_168 = tpu.memref_slice %arg9[%rem3A_117] : memref<4x!tpu.dma_semaphore, #tpu.memory_space<semaphore_mem>> -> memref<1x!tpu.dma_semaphore, #tpu.memory_space<semaphore_mem>>
      %dma_start3A_169 = tpu.memref_squeeze %dma_start3A_168 : memref<1x!tpu.dma_semaphore, #tpu.memory_space<semaphore_mem>> -> memref<!tpu.dma_semaphore, #tpu.memory_space<semaphore_mem>>
      %dma_start3A_170 = arith.constant 0 : i32
      %dma_start3A_171 = arith.constant 0 : i32
      %dma_start3A_172 = tpu.memref_slice %arg4[%select_n3A, %dma_start3A_159, %rem3A_157, %dma_start3A_170, %dma_start3A_171] : memref<50x8x128x8x128xf32, #tpu.memory_space<hbm>> -> memref<1x1x1x8x128xf32, #tpu.memory_space<hbm>>
      %dma_start3A_173 = tpu.memref_squeeze %dma_start3A_172 : memref<1x1x1x8x128xf32, #tpu.memory_space<hbm>> -> memref<8x128xf32, #tpu.memory_space<hbm>>
      %dma_start3A_174 = arith.constant 0 : i32
      %dma_start3A_175 = arith.constant 0 : i32
      %dma_start3A_176 = tpu.memref_slice %arg7[%rem3A_117, %dma_start3A_158, %dma_start3A_174, %dma_start3A_175] : memref<4x8x8x132xf32, #tpu.memory_space<vmem>> -> memref<1x1x8x128xf32, #tpu.memory_space<vmem>>
      %dma_start3A_177 = tpu.memref_squeeze %dma_start3A_176 : memref<1x1x8x128xf32, #tpu.memory_space<vmem>> -> memref<8x128xf32, #tpu.memory_space<vmem>>
      tpu.enqueue_dma source(%dma_start3A_177 : memref<8x128xf32, #tpu.memory_space<vmem>>) target(%dma_start3A_173 : memref<8x128xf32, #tpu.memory_space<hbm>>) target_semaphore(%dma_start3A_169 : memref<!tpu.dma_semaphore, #tpu.memory_space<semaphore_mem>>)
      %dma_start3A_178 = arith.constant 1 : i32
      %dma_start3A_179 = arith.constant 1 : i32
      %dma_start3A_180 = arith.constant 0 : i32
      %dma_start3A_181 = arith.constant 0 : i32
      %dma_start3A_182 = tpu.memref_slice %arg7[%rem3A_117, %dma_start3A_178, %dma_start3A_180, %dma_start3A_181] : memref<4x8x8x132xf32, #tpu.memory_space<vmem>> -> memref<1x1x8x128xf32, #tpu.memory_space<vmem>>
      %dma_start3A_183 = tpu.memref_squeeze %dma_start3A_182 : memref<1x1x8x128xf32, #tpu.memory_space<vmem>> -> memref<8x128xf32, #tpu.memory_space<vmem>>
      %dma_start3A_184 = arith.constant 0 : i32
      %dma_start3A_185 = arith.constant 0 : i32
      %dma_start3A_186 = tpu.memref_slice %arg4[%select_n3A, %dma_start3A_179, %rem3A_157, %dma_start3A_184, %dma_start3A_185] : memref<50x8x128x8x128xf32, #tpu.memory_space<hbm>> -> memref<1x1x1x8x128xf32, #tpu.memory_space<hbm>>
      %dma_start3A_187 = tpu.memref_squeeze %dma_start3A_186 : memref<1x1x1x8x128xf32, #tpu.memory_space<hbm>> -> memref<8x128xf32, #tpu.memory_space<hbm>>
      %dma_start3A_188 = tpu.memref_slice %arg9[%rem3A_117] : memref<4x!tpu.dma_semaphore, #tpu.memory_space<semaphore_mem>> -> memref<1x!tpu.dma_semaphore, #tpu.memory_space<semaphore_mem>>
      %dma_start3A_189 = tpu.memref_squeeze %dma_start3A_188 : memref<1x!tpu.dma_semaphore, #tpu.memory_space<semaphore_mem>> -> memref<!tpu.dma_semaphore, #tpu.memory_space<semaphore_mem>>
      %dma_start3A_190 = arith.constant 0 : i32
      %dma_start3A_191 = arith.constant 0 : i32
      %dma_start3A_192 = tpu.memref_slice %arg4[%select_n3A, %dma_start3A_179, %rem3A_157, %dma_start3A_190, %dma_start3A_191] : memref<50x8x128x8x128xf32, #tpu.memory_space<hbm>> -> memref<1x1x1x8x128xf32, #tpu.memory_space<hbm>>
      %dma_start3A_193 = tpu.memref_squeeze %dma_start3A_192 : memref<1x1x1x8x128xf32, #tpu.memory_space<hbm>> -> memref<8x128xf32, #tpu.memory_space<hbm>>
      %dma_start3A_194 = arith.constant 0 : i32
      %dma_start3A_195 = arith.constant 0 : i32
      %dma_start3A_196 = tpu.memref_slice %arg7[%rem3A_117, %dma_start3A_178, %dma_start3A_194, %dma_start3A_195] : memref<4x8x8x132xf32, #tpu.memory_space<vmem>> -> memref<1x1x8x128xf32, #tpu.memory_space<vmem>>
      %dma_start3A_197 = tpu.memref_squeeze %dma_start3A_196 : memref<1x1x8x128xf32, #tpu.memory_space<vmem>> -> memref<8x128xf32, #tpu.memory_space<vmem>>
      tpu.enqueue_dma source(%dma_start3A_197 : memref<8x128xf32, #tpu.memory_space<vmem>>) target(%dma_start3A_193 : memref<8x128xf32, #tpu.memory_space<hbm>>) target_semaphore(%dma_start3A_189 : memref<!tpu.dma_semaphore, #tpu.memory_space<semaphore_mem>>)
      %dma_start3A_198 = arith.constant 2 : i32
      %dma_start3A_199 = arith.constant 2 : i32
      %dma_start3A_200 = arith.constant 0 : i32
      %dma_start3A_201 = arith.constant 0 : i32
      %dma_start3A_202 = tpu.memref_slice %arg7[%rem3A_117, %dma_start3A_198, %dma_start3A_200, %dma_start3A_201] : memref<4x8x8x132xf32, #tpu.memory_space<vmem>> -> memref<1x1x8x128xf32, #tpu.memory_space<vmem>>
      %dma_start3A_203 = tpu.memref_squeeze %dma_start3A_202 : memref<1x1x8x128xf32, #tpu.memory_space<vmem>> -> memref<8x128xf32, #tpu.memory_space<vmem>>
      %dma_start3A_204 = arith.constant 0 : i32
      %dma_start3A_205 = arith.constant 0 : i32
      %dma_start3A_206 = tpu.memref_slice %arg4[%select_n3A, %dma_start3A_199, %rem3A_157, %dma_start3A_204, %dma_start3A_205] : memref<50x8x128x8x128xf32, #tpu.memory_space<hbm>> -> memref<1x1x1x8x128xf32, #tpu.memory_space<hbm>>
      %dma_start3A_207 = tpu.memref_squeeze %dma_start3A_206 : memref<1x1x1x8x128xf32, #tpu.memory_space<hbm>> -> memref<8x128xf32, #tpu.memory_space<hbm>>
      %dma_start3A_208 = tpu.memref_slice %arg9[%rem3A_117] : memref<4x!tpu.dma_semaphore, #tpu.memory_space<semaphore_mem>> -> memref<1x!tpu.dma_semaphore, #tpu.memory_space<semaphore_mem>>
      %dma_start3A_209 = tpu.memref_squeeze %dma_start3A_208 : memref<1x!tpu.dma_semaphore, #tpu.memory_space<semaphore_mem>> -> memref<!tpu.dma_semaphore, #tpu.memory_space<semaphore_mem>>
      %dma_start3A_210 = arith.constant 0 : i32
      %dma_start3A_211 = arith.constant 0 : i32
      %dma_start3A_212 = tpu.memref_slice %arg4[%select_n3A, %dma_start3A_199, %rem3A_157, %dma_start3A_210, %dma_start3A_211] : memref<50x8x128x8x128xf32, #tpu.memory_space<hbm>> -> memref<1x1x1x8x128xf32, #tpu.memory_space<hbm>>
      %dma_start3A_213 = tpu.memref_squeeze %dma_start3A_212 : memref<1x1x1x8x128xf32, #tpu.memory_space<hbm>> -> memref<8x128xf32, #tpu.memory_space<hbm>>
      %dma_start3A_214 = arith.constant 0 : i32
      %dma_start3A_215 = arith.constant 0 : i32
      %dma_start3A_216 = tpu.memref_slice %arg7[%rem3A_117, %dma_start3A_198, %dma_start3A_214, %dma_start3A_215] : memref<4x8x8x132xf32, #tpu.memory_space<vmem>> -> memref<1x1x8x128xf32, #tpu.memory_space<vmem>>
      %dma_start3A_217 = tpu.memref_squeeze %dma_start3A_216 : memref<1x1x8x128xf32, #tpu.memory_space<vmem>> -> memref<8x128xf32, #tpu.memory_space<vmem>>
      tpu.enqueue_dma source(%dma_start3A_217 : memref<8x128xf32, #tpu.memory_space<vmem>>) target(%dma_start3A_213 : memref<8x128xf32, #tpu.memory_space<hbm>>) target_semaphore(%dma_start3A_209 : memref<!tpu.dma_semaphore, #tpu.memory_space<semaphore_mem>>)
      %dma_start3A_218 = arith.constant 3 : i32
      %dma_start3A_219 = arith.constant 3 : i32
      %dma_start3A_220 = arith.constant 0 : i32
      %dma_start3A_221 = arith.constant 0 : i32
      %dma_start3A_222 = tpu.memref_slice %arg7[%rem3A_117, %dma_start3A_218, %dma_start3A_220, %dma_start3A_221] : memref<4x8x8x132xf32, #tpu.memory_space<vmem>> -> memref<1x1x8x128xf32, #tpu.memory_space<vmem>>
      %dma_start3A_223 = tpu.memref_squeeze %dma_start3A_222 : memref<1x1x8x128xf32, #tpu.memory_space<vmem>> -> memref<8x128xf32, #tpu.memory_space<vmem>>
      %dma_start3A_224 = arith.constant 0 : i32
      %dma_start3A_225 = arith.constant 0 : i32
      %dma_start3A_226 = tpu.memref_slice %arg4[%select_n3A, %dma_start3A_219, %rem3A_157, %dma_start3A_224, %dma_start3A_225] : memref<50x8x128x8x128xf32, #tpu.memory_space<hbm>> -> memref<1x1x1x8x128xf32, #tpu.memory_space<hbm>>
      %dma_start3A_227 = tpu.memref_squeeze %dma_start3A_226 : memref<1x1x1x8x128xf32, #tpu.memory_space<hbm>> -> memref<8x128xf32, #tpu.memory_space<hbm>>
      %dma_start3A_228 = tpu.memref_slice %arg9[%rem3A_117] : memref<4x!tpu.dma_semaphore, #tpu.memory_space<semaphore_mem>> -> memref<1x!tpu.dma_semaphore, #tpu.memory_space<semaphore_mem>>
      %dma_start3A_229 = tpu.memref_squeeze %dma_start3A_228 : memref<1x!tpu.dma_semaphore, #tpu.memory_space<semaphore_mem>> -> memref<!tpu.dma_semaphore, #tpu.memory_space<semaphore_mem>>
      %dma_start3A_230 = arith.constant 0 : i32
      %dma_start3A_231 = arith.constant 0 : i32
      %dma_start3A_232 = tpu.memref_slice %arg4[%select_n3A, %dma_start3A_219, %rem3A_157, %dma_start3A_230, %dma_start3A_231] : memref<50x8x128x8x128xf32, #tpu.memory_space<hbm>> -> memref<1x1x1x8x128xf32, #tpu.memory_space<hbm>>
      %dma_start3A_233 = tpu.memref_squeeze %dma_start3A_232 : memref<1x1x1x8x128xf32, #tpu.memory_space<hbm>> -> memref<8x128xf32, #tpu.memory_space<hbm>>
      %dma_start3A_234 = arith.constant 0 : i32
      %dma_start3A_235 = arith.constant 0 : i32
      %dma_start3A_236 = tpu.memref_slice %arg7[%rem3A_117, %dma_start3A_218, %dma_start3A_234, %dma_start3A_235] : memref<4x8x8x132xf32, #tpu.memory_space<vmem>> -> memref<1x1x8x128xf32, #tpu.memory_space<vmem>>
      %dma_start3A_237 = tpu.memref_squeeze %dma_start3A_236 : memref<1x1x8x128xf32, #tpu.memory_space<vmem>> -> memref<8x128xf32, #tpu.memory_space<vmem>>
      tpu.enqueue_dma source(%dma_start3A_237 : memref<8x128xf32, #tpu.memory_space<vmem>>) target(%dma_start3A_233 : memref<8x128xf32, #tpu.memory_space<hbm>>) target_semaphore(%dma_start3A_229 : memref<!tpu.dma_semaphore, #tpu.memory_space<semaphore_mem>>)
      %dma_start3A_238 = arith.constant 4 : i32
      %dma_start3A_239 = arith.constant 4 : i32
      %dma_start3A_240 = arith.constant 0 : i32
      %dma_start3A_241 = arith.constant 0 : i32
      %dma_start3A_242 = tpu.memref_slice %arg7[%rem3A_117, %dma_start3A_238, %dma_start3A_240, %dma_start3A_241] : memref<4x8x8x132xf32, #tpu.memory_space<vmem>> -> memref<1x1x8x128xf32, #tpu.memory_space<vmem>>
      %dma_start3A_243 = tpu.memref_squeeze %dma_start3A_242 : memref<1x1x8x128xf32, #tpu.memory_space<vmem>> -> memref<8x128xf32, #tpu.memory_space<vmem>>
      %dma_start3A_244 = arith.constant 0 : i32
      %dma_start3A_245 = arith.constant 0 : i32
      %dma_start3A_246 = tpu.memref_slice %arg4[%select_n3A, %dma_start3A_239, %rem3A_157, %dma_start3A_244, %dma_start3A_245] : memref<50x8x128x8x128xf32, #tpu.memory_space<hbm>> -> memref<1x1x1x8x128xf32, #tpu.memory_space<hbm>>
      %dma_start3A_247 = tpu.memref_squeeze %dma_start3A_246 : memref<1x1x1x8x128xf32, #tpu.memory_space<hbm>> -> memref<8x128xf32, #tpu.memory_space<hbm>>
      %dma_start3A_248 = tpu.memref_slice %arg9[%rem3A_117] : memref<4x!tpu.dma_semaphore, #tpu.memory_space<semaphore_mem>> -> memref<1x!tpu.dma_semaphore, #tpu.memory_space<semaphore_mem>>
      %dma_start3A_249 = tpu.memref_squeeze %dma_start3A_248 : memref<1x!tpu.dma_semaphore, #tpu.memory_space<semaphore_mem>> -> memref<!tpu.dma_semaphore, #tpu.memory_space<semaphore_mem>>
      %dma_start3A_250 = arith.constant 0 : i32
      %dma_start3A_251 = arith.constant 0 : i32
      %dma_start3A_252 = tpu.memref_slice %arg4[%select_n3A, %dma_start3A_239, %rem3A_157, %dma_start3A_250, %dma_start3A_251] : memref<50x8x128x8x128xf32, #tpu.memory_space<hbm>> -> memref<1x1x1x8x128xf32, #tpu.memory_space<hbm>>
      %dma_start3A_253 = tpu.memref_squeeze %dma_start3A_252 : memref<1x1x1x8x128xf32, #tpu.memory_space<hbm>> -> memref<8x128xf32, #tpu.memory_space<hbm>>
      %dma_start3A_254 = arith.constant 0 : i32
      %dma_start3A_255 = arith.constant 0 : i32
      %dma_start3A_256 = tpu.memref_slice %arg7[%rem3A_117, %dma_start3A_238, %dma_start3A_254, %dma_start3A_255] : memref<4x8x8x132xf32, #tpu.memory_space<vmem>> -> memref<1x1x8x128xf32, #tpu.memory_space<vmem>>
      %dma_start3A_257 = tpu.memref_squeeze %dma_start3A_256 : memref<1x1x8x128xf32, #tpu.memory_space<vmem>> -> memref<8x128xf32, #tpu.memory_space<vmem>>
      tpu.enqueue_dma source(%dma_start3A_257 : memref<8x128xf32, #tpu.memory_space<vmem>>) target(%dma_start3A_253 : memref<8x128xf32, #tpu.memory_space<hbm>>) target_semaphore(%dma_start3A_249 : memref<!tpu.dma_semaphore, #tpu.memory_space<semaphore_mem>>)
      %dma_start3A_258 = arith.constant 5 : i32
      %dma_start3A_259 = arith.constant 5 : i32
      %dma_start3A_260 = arith.constant 0 : i32
      %dma_start3A_261 = arith.constant 0 : i32
      %dma_start3A_262 = tpu.memref_slice %arg7[%rem3A_117, %dma_start3A_258, %dma_start3A_260, %dma_start3A_261] : memref<4x8x8x132xf32, #tpu.memory_space<vmem>> -> memref<1x1x8x128xf32, #tpu.memory_space<vmem>>
      %dma_start3A_263 = tpu.memref_squeeze %dma_start3A_262 : memref<1x1x8x128xf32, #tpu.memory_space<vmem>> -> memref<8x128xf32, #tpu.memory_space<vmem>>
      %dma_start3A_264 = arith.constant 0 : i32
      %dma_start3A_265 = arith.constant 0 : i32
      %dma_start3A_266 = tpu.memref_slice %arg4[%select_n3A, %dma_start3A_259, %rem3A_157, %dma_start3A_264, %dma_start3A_265] : memref<50x8x128x8x128xf32, #tpu.memory_space<hbm>> -> memref<1x1x1x8x128xf32, #tpu.memory_space<hbm>>
      %dma_start3A_267 = tpu.memref_squeeze %dma_start3A_266 : memref<1x1x1x8x128xf32, #tpu.memory_space<hbm>> -> memref<8x128xf32, #tpu.memory_space<hbm>>
      %dma_start3A_268 = tpu.memref_slice %arg9[%rem3A_117] : memref<4x!tpu.dma_semaphore, #tpu.memory_space<semaphore_mem>> -> memref<1x!tpu.dma_semaphore, #tpu.memory_space<semaphore_mem>>
      %dma_start3A_269 = tpu.memref_squeeze %dma_start3A_268 : memref<1x!tpu.dma_semaphore, #tpu.memory_space<semaphore_mem>> -> memref<!tpu.dma_semaphore, #tpu.memory_space<semaphore_mem>>
      %dma_start3A_270 = arith.constant 0 : i32
      %dma_start3A_271 = arith.constant 0 : i32
      %dma_start3A_272 = tpu.memref_slice %arg4[%select_n3A, %dma_start3A_259, %rem3A_157, %dma_start3A_270, %dma_start3A_271] : memref<50x8x128x8x128xf32, #tpu.memory_space<hbm>> -> memref<1x1x1x8x128xf32, #tpu.memory_space<hbm>>
      %dma_start3A_273 = tpu.memref_squeeze %dma_start3A_272 : memref<1x1x1x8x128xf32, #tpu.memory_space<hbm>> -> memref<8x128xf32, #tpu.memory_space<hbm>>
      %dma_start3A_274 = arith.constant 0 : i32
      %dma_start3A_275 = arith.constant 0 : i32
      %dma_start3A_276 = tpu.memref_slice %arg7[%rem3A_117, %dma_start3A_258, %dma_start3A_274, %dma_start3A_275] : memref<4x8x8x132xf32, #tpu.memory_space<vmem>> -> memref<1x1x8x128xf32, #tpu.memory_space<vmem>>
      %dma_start3A_277 = tpu.memref_squeeze %dma_start3A_276 : memref<1x1x8x128xf32, #tpu.memory_space<vmem>> -> memref<8x128xf32, #tpu.memory_space<vmem>>
      tpu.enqueue_dma source(%dma_start3A_277 : memref<8x128xf32, #tpu.memory_space<vmem>>) target(%dma_start3A_273 : memref<8x128xf32, #tpu.memory_space<hbm>>) target_semaphore(%dma_start3A_269 : memref<!tpu.dma_semaphore, #tpu.memory_space<semaphore_mem>>)
      %dma_start3A_278 = arith.constant 6 : i32
      %dma_start3A_279 = arith.constant 6 : i32
      %dma_start3A_280 = arith.constant 0 : i32
      %dma_start3A_281 = arith.constant 0 : i32
      %dma_start3A_282 = tpu.memref_slice %arg7[%rem3A_117, %dma_start3A_278, %dma_start3A_280, %dma_start3A_281] : memref<4x8x8x132xf32, #tpu.memory_space<vmem>> -> memref<1x1x8x128xf32, #tpu.memory_space<vmem>>
      %dma_start3A_283 = tpu.memref_squeeze %dma_start3A_282 : memref<1x1x8x128xf32, #tpu.memory_space<vmem>> -> memref<8x128xf32, #tpu.memory_space<vmem>>
      %dma_start3A_284 = arith.constant 0 : i32
      %dma_start3A_285 = arith.constant 0 : i32
      %dma_start3A_286 = tpu.memref_slice %arg4[%select_n3A, %dma_start3A_279, %rem3A_157, %dma_start3A_284, %dma_start3A_285] : memref<50x8x128x8x128xf32, #tpu.memory_space<hbm>> -> memref<1x1x1x8x128xf32, #tpu.memory_space<hbm>>
      %dma_start3A_287 = tpu.memref_squeeze %dma_start3A_286 : memref<1x1x1x8x128xf32, #tpu.memory_space<hbm>> -> memref<8x128xf32, #tpu.memory_space<hbm>>
      %dma_start3A_288 = tpu.memref_slice %arg9[%rem3A_117] : memref<4x!tpu.dma_semaphore, #tpu.memory_space<semaphore_mem>> -> memref<1x!tpu.dma_semaphore, #tpu.memory_space<semaphore_mem>>
      %dma_start3A_289 = tpu.memref_squeeze %dma_start3A_288 : memref<1x!tpu.dma_semaphore, #tpu.memory_space<semaphore_mem>> -> memref<!tpu.dma_semaphore, #tpu.memory_space<semaphore_mem>>
      %dma_start3A_290 = arith.constant 0 : i32
      %dma_start3A_291 = arith.constant 0 : i32
      %dma_start3A_292 = tpu.memref_slice %arg4[%select_n3A, %dma_start3A_279, %rem3A_157, %dma_start3A_290, %dma_start3A_291] : memref<50x8x128x8x128xf32, #tpu.memory_space<hbm>> -> memref<1x1x1x8x128xf32, #tpu.memory_space<hbm>>
      %dma_start3A_293 = tpu.memref_squeeze %dma_start3A_292 : memref<1x1x1x8x128xf32, #tpu.memory_space<hbm>> -> memref<8x128xf32, #tpu.memory_space<hbm>>
      %dma_start3A_294 = arith.constant 0 : i32
      %dma_start3A_295 = arith.constant 0 : i32
      %dma_start3A_296 = tpu.memref_slice %arg7[%rem3A_117, %dma_start3A_278, %dma_start3A_294, %dma_start3A_295] : memref<4x8x8x132xf32, #tpu.memory_space<vmem>> -> memref<1x1x8x128xf32, #tpu.memory_space<vmem>>
      %dma_start3A_297 = tpu.memref_squeeze %dma_start3A_296 : memref<1x1x8x128xf32, #tpu.memory_space<vmem>> -> memref<8x128xf32, #tpu.memory_space<vmem>>
      tpu.enqueue_dma source(%dma_start3A_297 : memref<8x128xf32, #tpu.memory_space<vmem>>) target(%dma_start3A_293 : memref<8x128xf32, #tpu.memory_space<hbm>>) target_semaphore(%dma_start3A_289 : memref<!tpu.dma_semaphore, #tpu.memory_space<semaphore_mem>>)
      %dma_start3A_298 = arith.constant 7 : i32
      %dma_start3A_299 = arith.constant 7 : i32
      %dma_start3A_300 = arith.constant 0 : i32
      %dma_start3A_301 = arith.constant 0 : i32
      %dma_start3A_302 = tpu.memref_slice %arg7[%rem3A_117, %dma_start3A_298, %dma_start3A_300, %dma_start3A_301] : memref<4x8x8x132xf32, #tpu.memory_space<vmem>> -> memref<1x1x8x128xf32, #tpu.memory_space<vmem>>
      %dma_start3A_303 = tpu.memref_squeeze %dma_start3A_302 : memref<1x1x8x128xf32, #tpu.memory_space<vmem>> -> memref<8x128xf32, #tpu.memory_space<vmem>>
      %dma_start3A_304 = arith.constant 0 : i32
      %dma_start3A_305 = arith.constant 0 : i32
      %dma_start3A_306 = tpu.memref_slice %arg4[%select_n3A, %dma_start3A_299, %rem3A_157, %dma_start3A_304, %dma_start3A_305] : memref<50x8x128x8x128xf32, #tpu.memory_space<hbm>> -> memref<1x1x1x8x128xf32, #tpu.memory_space<hbm>>
      %dma_start3A_307 = tpu.memref_squeeze %dma_start3A_306 : memref<1x1x1x8x128xf32, #tpu.memory_space<hbm>> -> memref<8x128xf32, #tpu.memory_space<hbm>>
      %dma_start3A_308 = tpu.memref_slice %arg9[%rem3A_117] : memref<4x!tpu.dma_semaphore, #tpu.memory_space<semaphore_mem>> -> memref<1x!tpu.dma_semaphore, #tpu.memory_space<semaphore_mem>>
      %dma_start3A_309 = tpu.memref_squeeze %dma_start3A_308 : memref<1x!tpu.dma_semaphore, #tpu.memory_space<semaphore_mem>> -> memref<!tpu.dma_semaphore, #tpu.memory_space<semaphore_mem>>
      %dma_start3A_310 = arith.constant 0 : i32
      %dma_start3A_311 = arith.constant 0 : i32
      %dma_start3A_312 = tpu.memref_slice %arg4[%select_n3A, %dma_start3A_299, %rem3A_157, %dma_start3A_310, %dma_start3A_311] : memref<50x8x128x8x128xf32, #tpu.memory_space<hbm>> -> memref<1x1x1x8x128xf32, #tpu.memory_space<hbm>>
      %dma_start3A_313 = tpu.memref_squeeze %dma_start3A_312 : memref<1x1x1x8x128xf32, #tpu.memory_space<hbm>> -> memref<8x128xf32, #tpu.memory_space<hbm>>
      %dma_start3A_314 = arith.constant 0 : i32
      %dma_start3A_315 = arith.constant 0 : i32
      %dma_start3A_316 = tpu.memref_slice %arg7[%rem3A_117, %dma_start3A_298, %dma_start3A_314, %dma_start3A_315] : memref<4x8x8x132xf32, #tpu.memory_space<vmem>> -> memref<1x1x8x128xf32, #tpu.memory_space<vmem>>
      %dma_start3A_317 = tpu.memref_squeeze %dma_start3A_316 : memref<1x1x8x128xf32, #tpu.memory_space<vmem>> -> memref<8x128xf32, #tpu.memory_space<vmem>>
      tpu.enqueue_dma source(%dma_start3A_317 : memref<8x128xf32, #tpu.memory_space<vmem>>) target(%dma_start3A_313 : memref<8x128xf32, #tpu.memory_space<hbm>>) target_semaphore(%dma_start3A_309 : memref<!tpu.dma_semaphore, #tpu.memory_space<semaphore_mem>>)
      %scan3A_318 = arith.constant 0 : i32
      scf.yield %scan3A_318 : i32
    }
    %scan3A_107 = arith.constant 200 : i32
    %scan3A_108 = arith.constant 0 : i32
    %scan3A_109 = arith.constant 196 : i32
    %scan3A_110 = arith.constant 4 : i32
    %scan3A_111 = arith.addi %scan3A_109, %scan3A_110 : i32
    %scan3A_112 = arith.constant 1 : i32
    %scan3A_113 = scf.for %scan3A_115 = %scan3A_109 to %scan3A_111 step %scan3A_112 iter_args(%scan3A_116 = %scan3A_108) -> (i32)  : i32 {
      %rem3A = arith.constant 4 : i32
      %rem3A_117 = arith.remsi %scan3A_115, %rem3A : i32
      %add3A_118 = arith.addi %mul3A_2, %scan3A_115 : i32
      %jit3A = arith.constant 128 : i32
      %div3A = arith.divsi %add3A_118, %jit3A : i32
      %sign3A = arith.constant 0 : i32
      %sign3A_119 = arith.cmpi sgt, %add3A_118, %sign3A : i32
      %sign3A_120 = arith.extui %sign3A_119 : i1 to i32
      %sign3A_121 = arith.constant 0 : i32
      %sign3A_122 = arith.cmpi slt, %add3A_118, %sign3A_121 : i32
      %sign3A_123 = arith.extui %sign3A_122 : i1 to i32
      %sign3A_124 = arith.subi %sign3A_120, %sign3A_123 : i32
      %sign3A_125 = arith.constant 0 : i32
      %sign3A_126 = arith.cmpi sgt, %jit3A, %sign3A_125 : i32
      %sign3A_127 = arith.extui %sign3A_126 : i1 to i32
      %sign3A_128 = arith.constant 0 : i32
      %sign3A_129 = arith.cmpi slt, %jit3A, %sign3A_128 : i32
      %sign3A_130 = arith.extui %sign3A_129 : i1 to i32
      %sign3A_131 = arith.subi %sign3A_127, %sign3A_130 : i32
      %ne3A = arith.cmpi ne, %sign3A_124, %sign3A_131 : i32
      %rem3A_132 = arith.remsi %add3A_118, %jit3A : i32
      %ne3A_133 = arith.constant 0 : i32
      %ne3A_134 = arith.cmpi ne, %rem3A_132, %ne3A_133 : i32
      %and3A_135 = arith.andi %ne3A, %ne3A_134 : i1
      %sub3A = arith.constant 1 : i32
      %sub3A_136 = arith.subi %div3A, %sub3A : i32
      %select_n3A = arith.select %and3A_135, %sub3A_136, %div3A : i32
      %rem3A_137 = arith.constant 128 : i32
      %rem3A_138 = arith.remsi %add3A_118, %rem3A_137 : i32
      %dma_wait3A = arith.constant 0 : i32
      %dma_wait3A_139 = arith.constant 0 : i32
      %dma_wait3A_140 = arith.constant 0 : i32
      %dma_wait3A_141 = arith.constant 0 : i32
      %dma_wait3A_142 = tpu.memref_slice %arg7[%rem3A_117, %dma_wait3A, %dma_wait3A_140, %dma_wait3A_141] : memref<4x8x8x132xf32, #tpu.memory_space<vmem>> -> memref<1x1x8x128xf32, #tpu.memory_space<vmem>>
      %dma_wait3A_143 = tpu.memref_squeeze %dma_wait3A_142 : memref<1x1x8x128xf32, #tpu.memory_space<vmem>> -> memref<8x128xf32, #tpu.memory_space<vmem>>
      %dma_wait3A_144 = arith.constant 0 : i32
      %dma_wait3A_145 = arith.constant 0 : i32
      %dma_wait3A_146 = tpu.memref_slice %arg4[%select_n3A, %dma_wait3A_139, %rem3A_138, %dma_wait3A_144, %dma_wait3A_145] : memref<50x8x128x8x128xf32, #tpu.memory_space<hbm>> -> memref<1x1x1x8x128xf32, #tpu.memory_space<hbm>>
      %dma_wait3A_147 = tpu.memref_squeeze %dma_wait3A_146 : memref<1x1x1x8x128xf32, #tpu.memory_space<hbm>> -> memref<8x128xf32, #tpu.memory_space<hbm>>
      %dma_wait3A_148 = tpu.memref_slice %arg9[%rem3A_117] : memref<4x!tpu.dma_semaphore, #tpu.memory_space<semaphore_mem>> -> memref<1x!tpu.dma_semaphore, #tpu.memory_space<semaphore_mem>>
      %dma_wait3A_149 = tpu.memref_squeeze %dma_wait3A_148 : memref<1x!tpu.dma_semaphore, #tpu.memory_space<semaphore_mem>> -> memref<!tpu.dma_semaphore, #tpu.memory_space<semaphore_mem>>
      %dma_wait3A_150 = arith.constant 0 : i32
      %dma_wait3A_151 = arith.constant 0 : i32
      %dma_wait3A_152 = tpu.memref_slice %arg4[%select_n3A, %dma_wait3A_139, %rem3A_138, %dma_wait3A_150, %dma_wait3A_151] : memref<50x8x128x8x128xf32, #tpu.memory_space<hbm>> -> memref<1x1x1x8x128xf32, #tpu.memory_space<hbm>>
      %dma_wait3A_153 = tpu.memref_squeeze %dma_wait3A_152 : memref<1x1x1x8x128xf32, #tpu.memory_space<hbm>> -> memref<8x128xf32, #tpu.memory_space<hbm>>
      %dma_wait3A_154 = arith.constant 0 : i32
      %dma_wait3A_155 = arith.constant 0 : i32
      %dma_wait3A_156 = tpu.memref_slice %arg7[%rem3A_117, %dma_wait3A, %dma_wait3A_154, %dma_wait3A_155] : memref<4x8x8x132xf32, #tpu.memory_space<vmem>> -> memref<1x1x8x128xf32, #tpu.memory_space<vmem>>
      %dma_wait3A_157 = tpu.memref_squeeze %dma_wait3A_156 : memref<1x1x8x128xf32, #tpu.memory_space<vmem>> -> memref<8x128xf32, #tpu.memory_space<vmem>>
      tpu.wait_dma2 semaphore(%dma_wait3A_149 : memref<!tpu.dma_semaphore, #tpu.memory_space<semaphore_mem>>) src(%dma_wait3A_157 : memref<8x128xf32, #tpu.memory_space<vmem>>) dst(%dma_wait3A_153 : memref<8x128xf32, #tpu.memory_space<hbm>>)
      %dma_wait3A_158 = arith.constant 1 : i32
      %dma_wait3A_159 = arith.constant 1 : i32
      %dma_wait3A_160 = arith.constant 0 : i32
      %dma_wait3A_161 = arith.constant 0 : i32
      %dma_wait3A_162 = tpu.memref_slice %arg7[%rem3A_117, %dma_wait3A_158, %dma_wait3A_160, %dma_wait3A_161] : memref<4x8x8x132xf32, #tpu.memory_space<vmem>> -> memref<1x1x8x128xf32, #tpu.memory_space<vmem>>
      %dma_wait3A_163 = tpu.memref_squeeze %dma_wait3A_162 : memref<1x1x8x128xf32, #tpu.memory_space<vmem>> -> memref<8x128xf32, #tpu.memory_space<vmem>>
      %dma_wait3A_164 = arith.constant 0 : i32
      %dma_wait3A_165 = arith.constant 0 : i32
      %dma_wait3A_166 = tpu.memref_slice %arg4[%select_n3A, %dma_wait3A_159, %rem3A_138, %dma_wait3A_164, %dma_wait3A_165] : memref<50x8x128x8x128xf32, #tpu.memory_space<hbm>> -> memref<1x1x1x8x128xf32, #tpu.memory_space<hbm>>
      %dma_wait3A_167 = tpu.memref_squeeze %dma_wait3A_166 : memref<1x1x1x8x128xf32, #tpu.memory_space<hbm>> -> memref<8x128xf32, #tpu.memory_space<hbm>>
      %dma_wait3A_168 = tpu.memref_slice %arg9[%rem3A_117] : memref<4x!tpu.dma_semaphore, #tpu.memory_space<semaphore_mem>> -> memref<1x!tpu.dma_semaphore, #tpu.memory_space<semaphore_mem>>
      %dma_wait3A_169 = tpu.memref_squeeze %dma_wait3A_168 : memref<1x!tpu.dma_semaphore, #tpu.memory_space<semaphore_mem>> -> memref<!tpu.dma_semaphore, #tpu.memory_space<semaphore_mem>>
      %dma_wait3A_170 = arith.constant 0 : i32
      %dma_wait3A_171 = arith.constant 0 : i32
      %dma_wait3A_172 = tpu.memref_slice %arg4[%select_n3A, %dma_wait3A_159, %rem3A_138, %dma_wait3A_170, %dma_wait3A_171] : memref<50x8x128x8x128xf32, #tpu.memory_space<hbm>> -> memref<1x1x1x8x128xf32, #tpu.memory_space<hbm>>
      %dma_wait3A_173 = tpu.memref_squeeze %dma_wait3A_172 : memref<1x1x1x8x128xf32, #tpu.memory_space<hbm>> -> memref<8x128xf32, #tpu.memory_space<hbm>>
      %dma_wait3A_174 = arith.constant 0 : i32
      %dma_wait3A_175 = arith.constant 0 : i32
      %dma_wait3A_176 = tpu.memref_slice %arg7[%rem3A_117, %dma_wait3A_158, %dma_wait3A_174, %dma_wait3A_175] : memref<4x8x8x132xf32, #tpu.memory_space<vmem>> -> memref<1x1x8x128xf32, #tpu.memory_space<vmem>>
      %dma_wait3A_177 = tpu.memref_squeeze %dma_wait3A_176 : memref<1x1x8x128xf32, #tpu.memory_space<vmem>> -> memref<8x128xf32, #tpu.memory_space<vmem>>
      tpu.wait_dma2 semaphore(%dma_wait3A_169 : memref<!tpu.dma_semaphore, #tpu.memory_space<semaphore_mem>>) src(%dma_wait3A_177 : memref<8x128xf32, #tpu.memory_space<vmem>>) dst(%dma_wait3A_173 : memref<8x128xf32, #tpu.memory_space<hbm>>)
      %dma_wait3A_178 = arith.constant 2 : i32
      %dma_wait3A_179 = arith.constant 2 : i32
      %dma_wait3A_180 = arith.constant 0 : i32
      %dma_wait3A_181 = arith.constant 0 : i32
      %dma_wait3A_182 = tpu.memref_slice %arg7[%rem3A_117, %dma_wait3A_178, %dma_wait3A_180, %dma_wait3A_181] : memref<4x8x8x132xf32, #tpu.memory_space<vmem>> -> memref<1x1x8x128xf32, #tpu.memory_space<vmem>>
      %dma_wait3A_183 = tpu.memref_squeeze %dma_wait3A_182 : memref<1x1x8x128xf32, #tpu.memory_space<vmem>> -> memref<8x128xf32, #tpu.memory_space<vmem>>
      %dma_wait3A_184 = arith.constant 0 : i32
      %dma_wait3A_185 = arith.constant 0 : i32
      %dma_wait3A_186 = tpu.memref_slice %arg4[%select_n3A, %dma_wait3A_179, %rem3A_138, %dma_wait3A_184, %dma_wait3A_185] : memref<50x8x128x8x128xf32, #tpu.memory_space<hbm>> -> memref<1x1x1x8x128xf32, #tpu.memory_space<hbm>>
      %dma_wait3A_187 = tpu.memref_squeeze %dma_wait3A_186 : memref<1x1x1x8x128xf32, #tpu.memory_space<hbm>> -> memref<8x128xf32, #tpu.memory_space<hbm>>
      %dma_wait3A_188 = tpu.memref_slice %arg9[%rem3A_117] : memref<4x!tpu.dma_semaphore, #tpu.memory_space<semaphore_mem>> -> memref<1x!tpu.dma_semaphore, #tpu.memory_space<semaphore_mem>>
      %dma_wait3A_189 = tpu.memref_squeeze %dma_wait3A_188 : memref<1x!tpu.dma_semaphore, #tpu.memory_space<semaphore_mem>> -> memref<!tpu.dma_semaphore, #tpu.memory_space<semaphore_mem>>
      %dma_wait3A_190 = arith.constant 0 : i32
      %dma_wait3A_191 = arith.constant 0 : i32
      %dma_wait3A_192 = tpu.memref_slice %arg4[%select_n3A, %dma_wait3A_179, %rem3A_138, %dma_wait3A_190, %dma_wait3A_191] : memref<50x8x128x8x128xf32, #tpu.memory_space<hbm>> -> memref<1x1x1x8x128xf32, #tpu.memory_space<hbm>>
      %dma_wait3A_193 = tpu.memref_squeeze %dma_wait3A_192 : memref<1x1x1x8x128xf32, #tpu.memory_space<hbm>> -> memref<8x128xf32, #tpu.memory_space<hbm>>
      %dma_wait3A_194 = arith.constant 0 : i32
      %dma_wait3A_195 = arith.constant 0 : i32
      %dma_wait3A_196 = tpu.memref_slice %arg7[%rem3A_117, %dma_wait3A_178, %dma_wait3A_194, %dma_wait3A_195] : memref<4x8x8x132xf32, #tpu.memory_space<vmem>> -> memref<1x1x8x128xf32, #tpu.memory_space<vmem>>
      %dma_wait3A_197 = tpu.memref_squeeze %dma_wait3A_196 : memref<1x1x8x128xf32, #tpu.memory_space<vmem>> -> memref<8x128xf32, #tpu.memory_space<vmem>>
      tpu.wait_dma2 semaphore(%dma_wait3A_189 : memref<!tpu.dma_semaphore, #tpu.memory_space<semaphore_mem>>) src(%dma_wait3A_197 : memref<8x128xf32, #tpu.memory_space<vmem>>) dst(%dma_wait3A_193 : memref<8x128xf32, #tpu.memory_space<hbm>>)
      %dma_wait3A_198 = arith.constant 3 : i32
      %dma_wait3A_199 = arith.constant 3 : i32
      %dma_wait3A_200 = arith.constant 0 : i32
      %dma_wait3A_201 = arith.constant 0 : i32
      %dma_wait3A_202 = tpu.memref_slice %arg7[%rem3A_117, %dma_wait3A_198, %dma_wait3A_200, %dma_wait3A_201] : memref<4x8x8x132xf32, #tpu.memory_space<vmem>> -> memref<1x1x8x128xf32, #tpu.memory_space<vmem>>
      %dma_wait3A_203 = tpu.memref_squeeze %dma_wait3A_202 : memref<1x1x8x128xf32, #tpu.memory_space<vmem>> -> memref<8x128xf32, #tpu.memory_space<vmem>>
      %dma_wait3A_204 = arith.constant 0 : i32
      %dma_wait3A_205 = arith.constant 0 : i32
      %dma_wait3A_206 = tpu.memref_slice %arg4[%select_n3A, %dma_wait3A_199, %rem3A_138, %dma_wait3A_204, %dma_wait3A_205] : memref<50x8x128x8x128xf32, #tpu.memory_space<hbm>> -> memref<1x1x1x8x128xf32, #tpu.memory_space<hbm>>
      %dma_wait3A_207 = tpu.memref_squeeze %dma_wait3A_206 : memref<1x1x1x8x128xf32, #tpu.memory_space<hbm>> -> memref<8x128xf32, #tpu.memory_space<hbm>>
      %dma_wait3A_208 = tpu.memref_slice %arg9[%rem3A_117] : memref<4x!tpu.dma_semaphore, #tpu.memory_space<semaphore_mem>> -> memref<1x!tpu.dma_semaphore, #tpu.memory_space<semaphore_mem>>
      %dma_wait3A_209 = tpu.memref_squeeze %dma_wait3A_208 : memref<1x!tpu.dma_semaphore, #tpu.memory_space<semaphore_mem>> -> memref<!tpu.dma_semaphore, #tpu.memory_space<semaphore_mem>>
      %dma_wait3A_210 = arith.constant 0 : i32
      %dma_wait3A_211 = arith.constant 0 : i32
      %dma_wait3A_212 = tpu.memref_slice %arg4[%select_n3A, %dma_wait3A_199, %rem3A_138, %dma_wait3A_210, %dma_wait3A_211] : memref<50x8x128x8x128xf32, #tpu.memory_space<hbm>> -> memref<1x1x1x8x128xf32, #tpu.memory_space<hbm>>
      %dma_wait3A_213 = tpu.memref_squeeze %dma_wait3A_212 : memref<1x1x1x8x128xf32, #tpu.memory_space<hbm>> -> memref<8x128xf32, #tpu.memory_space<hbm>>
      %dma_wait3A_214 = arith.constant 0 : i32
      %dma_wait3A_215 = arith.constant 0 : i32
      %dma_wait3A_216 = tpu.memref_slice %arg7[%rem3A_117, %dma_wait3A_198, %dma_wait3A_214, %dma_wait3A_215] : memref<4x8x8x132xf32, #tpu.memory_space<vmem>> -> memref<1x1x8x128xf32, #tpu.memory_space<vmem>>
      %dma_wait3A_217 = tpu.memref_squeeze %dma_wait3A_216 : memref<1x1x8x128xf32, #tpu.memory_space<vmem>> -> memref<8x128xf32, #tpu.memory_space<vmem>>
      tpu.wait_dma2 semaphore(%dma_wait3A_209 : memref<!tpu.dma_semaphore, #tpu.memory_space<semaphore_mem>>) src(%dma_wait3A_217 : memref<8x128xf32, #tpu.memory_space<vmem>>) dst(%dma_wait3A_213 : memref<8x128xf32, #tpu.memory_space<hbm>>)
      %dma_wait3A_218 = arith.constant 4 : i32
      %dma_wait3A_219 = arith.constant 4 : i32
      %dma_wait3A_220 = arith.constant 0 : i32
      %dma_wait3A_221 = arith.constant 0 : i32
      %dma_wait3A_222 = tpu.memref_slice %arg7[%rem3A_117, %dma_wait3A_218, %dma_wait3A_220, %dma_wait3A_221] : memref<4x8x8x132xf32, #tpu.memory_space<vmem>> -> memref<1x1x8x128xf32, #tpu.memory_space<vmem>>
      %dma_wait3A_223 = tpu.memref_squeeze %dma_wait3A_222 : memref<1x1x8x128xf32, #tpu.memory_space<vmem>> -> memref<8x128xf32, #tpu.memory_space<vmem>>
      %dma_wait3A_224 = arith.constant 0 : i32
      %dma_wait3A_225 = arith.constant 0 : i32
      %dma_wait3A_226 = tpu.memref_slice %arg4[%select_n3A, %dma_wait3A_219, %rem3A_138, %dma_wait3A_224, %dma_wait3A_225] : memref<50x8x128x8x128xf32, #tpu.memory_space<hbm>> -> memref<1x1x1x8x128xf32, #tpu.memory_space<hbm>>
      %dma_wait3A_227 = tpu.memref_squeeze %dma_wait3A_226 : memref<1x1x1x8x128xf32, #tpu.memory_space<hbm>> -> memref<8x128xf32, #tpu.memory_space<hbm>>
      %dma_wait3A_228 = tpu.memref_slice %arg9[%rem3A_117] : memref<4x!tpu.dma_semaphore, #tpu.memory_space<semaphore_mem>> -> memref<1x!tpu.dma_semaphore, #tpu.memory_space<semaphore_mem>>
      %dma_wait3A_229 = tpu.memref_squeeze %dma_wait3A_228 : memref<1x!tpu.dma_semaphore, #tpu.memory_space<semaphore_mem>> -> memref<!tpu.dma_semaphore, #tpu.memory_space<semaphore_mem>>
      %dma_wait3A_230 = arith.constant 0 : i32
      %dma_wait3A_231 = arith.constant 0 : i32
      %dma_wait3A_232 = tpu.memref_slice %arg4[%select_n3A, %dma_wait3A_219, %rem3A_138, %dma_wait3A_230, %dma_wait3A_231] : memref<50x8x128x8x128xf32, #tpu.memory_space<hbm>> -> memref<1x1x1x8x128xf32, #tpu.memory_space<hbm>>
      %dma_wait3A_233 = tpu.memref_squeeze %dma_wait3A_232 : memref<1x1x1x8x128xf32, #tpu.memory_space<hbm>> -> memref<8x128xf32, #tpu.memory_space<hbm>>
      %dma_wait3A_234 = arith.constant 0 : i32
      %dma_wait3A_235 = arith.constant 0 : i32
      %dma_wait3A_236 = tpu.memref_slice %arg7[%rem3A_117, %dma_wait3A_218, %dma_wait3A_234, %dma_wait3A_235] : memref<4x8x8x132xf32, #tpu.memory_space<vmem>> -> memref<1x1x8x128xf32, #tpu.memory_space<vmem>>
      %dma_wait3A_237 = tpu.memref_squeeze %dma_wait3A_236 : memref<1x1x8x128xf32, #tpu.memory_space<vmem>> -> memref<8x128xf32, #tpu.memory_space<vmem>>
      tpu.wait_dma2 semaphore(%dma_wait3A_229 : memref<!tpu.dma_semaphore, #tpu.memory_space<semaphore_mem>>) src(%dma_wait3A_237 : memref<8x128xf32, #tpu.memory_space<vmem>>) dst(%dma_wait3A_233 : memref<8x128xf32, #tpu.memory_space<hbm>>)
      %dma_wait3A_238 = arith.constant 5 : i32
      %dma_wait3A_239 = arith.constant 5 : i32
      %dma_wait3A_240 = arith.constant 0 : i32
      %dma_wait3A_241 = arith.constant 0 : i32
      %dma_wait3A_242 = tpu.memref_slice %arg7[%rem3A_117, %dma_wait3A_238, %dma_wait3A_240, %dma_wait3A_241] : memref<4x8x8x132xf32, #tpu.memory_space<vmem>> -> memref<1x1x8x128xf32, #tpu.memory_space<vmem>>
      %dma_wait3A_243 = tpu.memref_squeeze %dma_wait3A_242 : memref<1x1x8x128xf32, #tpu.memory_space<vmem>> -> memref<8x128xf32, #tpu.memory_space<vmem>>
      %dma_wait3A_244 = arith.constant 0 : i32
      %dma_wait3A_245 = arith.constant 0 : i32
      %dma_wait3A_246 = tpu.memref_slice %arg4[%select_n3A, %dma_wait3A_239, %rem3A_138, %dma_wait3A_244, %dma_wait3A_245] : memref<50x8x128x8x128xf32, #tpu.memory_space<hbm>> -> memref<1x1x1x8x128xf32, #tpu.memory_space<hbm>>
      %dma_wait3A_247 = tpu.memref_squeeze %dma_wait3A_246 : memref<1x1x1x8x128xf32, #tpu.memory_space<hbm>> -> memref<8x128xf32, #tpu.memory_space<hbm>>
      %dma_wait3A_248 = tpu.memref_slice %arg9[%rem3A_117] : memref<4x!tpu.dma_semaphore, #tpu.memory_space<semaphore_mem>> -> memref<1x!tpu.dma_semaphore, #tpu.memory_space<semaphore_mem>>
      %dma_wait3A_249 = tpu.memref_squeeze %dma_wait3A_248 : memref<1x!tpu.dma_semaphore, #tpu.memory_space<semaphore_mem>> -> memref<!tpu.dma_semaphore, #tpu.memory_space<semaphore_mem>>
      %dma_wait3A_250 = arith.constant 0 : i32
      %dma_wait3A_251 = arith.constant 0 : i32
      %dma_wait3A_252 = tpu.memref_slice %arg4[%select_n3A, %dma_wait3A_239, %rem3A_138, %dma_wait3A_250, %dma_wait3A_251] : memref<50x8x128x8x128xf32, #tpu.memory_space<hbm>> -> memref<1x1x1x8x128xf32, #tpu.memory_space<hbm>>
      %dma_wait3A_253 = tpu.memref_squeeze %dma_wait3A_252 : memref<1x1x1x8x128xf32, #tpu.memory_space<hbm>> -> memref<8x128xf32, #tpu.memory_space<hbm>>
      %dma_wait3A_254 = arith.constant 0 : i32
      %dma_wait3A_255 = arith.constant 0 : i32
      %dma_wait3A_256 = tpu.memref_slice %arg7[%rem3A_117, %dma_wait3A_238, %dma_wait3A_254, %dma_wait3A_255] : memref<4x8x8x132xf32, #tpu.memory_space<vmem>> -> memref<1x1x8x128xf32, #tpu.memory_space<vmem>>
      %dma_wait3A_257 = tpu.memref_squeeze %dma_wait3A_256 : memref<1x1x8x128xf32, #tpu.memory_space<vmem>> -> memref<8x128xf32, #tpu.memory_space<vmem>>
      tpu.wait_dma2 semaphore(%dma_wait3A_249 : memref<!tpu.dma_semaphore, #tpu.memory_space<semaphore_mem>>) src(%dma_wait3A_257 : memref<8x128xf32, #tpu.memory_space<vmem>>) dst(%dma_wait3A_253 : memref<8x128xf32, #tpu.memory_space<hbm>>)
      %dma_wait3A_258 = arith.constant 6 : i32
      %dma_wait3A_259 = arith.constant 6 : i32
      %dma_wait3A_260 = arith.constant 0 : i32
      %dma_wait3A_261 = arith.constant 0 : i32
      %dma_wait3A_262 = tpu.memref_slice %arg7[%rem3A_117, %dma_wait3A_258, %dma_wait3A_260, %dma_wait3A_261] : memref<4x8x8x132xf32, #tpu.memory_space<vmem>> -> memref<1x1x8x128xf32, #tpu.memory_space<vmem>>
      %dma_wait3A_263 = tpu.memref_squeeze %dma_wait3A_262 : memref<1x1x8x128xf32, #tpu.memory_space<vmem>> -> memref<8x128xf32, #tpu.memory_space<vmem>>
      %dma_wait3A_264 = arith.constant 0 : i32
      %dma_wait3A_265 = arith.constant 0 : i32
      %dma_wait3A_266 = tpu.memref_slice %arg4[%select_n3A, %dma_wait3A_259, %rem3A_138, %dma_wait3A_264, %dma_wait3A_265] : memref<50x8x128x8x128xf32, #tpu.memory_space<hbm>> -> memref<1x1x1x8x128xf32, #tpu.memory_space<hbm>>
      %dma_wait3A_267 = tpu.memref_squeeze %dma_wait3A_266 : memref<1x1x1x8x128xf32, #tpu.memory_space<hbm>> -> memref<8x128xf32, #tpu.memory_space<hbm>>
      %dma_wait3A_268 = tpu.memref_slice %arg9[%rem3A_117] : memref<4x!tpu.dma_semaphore, #tpu.memory_space<semaphore_mem>> -> memref<1x!tpu.dma_semaphore, #tpu.memory_space<semaphore_mem>>
      %dma_wait3A_269 = tpu.memref_squeeze %dma_wait3A_268 : memref<1x!tpu.dma_semaphore, #tpu.memory_space<semaphore_mem>> -> memref<!tpu.dma_semaphore, #tpu.memory_space<semaphore_mem>>
      %dma_wait3A_270 = arith.constant 0 : i32
      %dma_wait3A_271 = arith.constant 0 : i32
      %dma_wait3A_272 = tpu.memref_slice %arg4[%select_n3A, %dma_wait3A_259, %rem3A_138, %dma_wait3A_270, %dma_wait3A_271] : memref<50x8x128x8x128xf32, #tpu.memory_space<hbm>> -> memref<1x1x1x8x128xf32, #tpu.memory_space<hbm>>
      %dma_wait3A_273 = tpu.memref_squeeze %dma_wait3A_272 : memref<1x1x1x8x128xf32, #tpu.memory_space<hbm>> -> memref<8x128xf32, #tpu.memory_space<hbm>>
      %dma_wait3A_274 = arith.constant 0 : i32
      %dma_wait3A_275 = arith.constant 0 : i32
      %dma_wait3A_276 = tpu.memref_slice %arg7[%rem3A_117, %dma_wait3A_258, %dma_wait3A_274, %dma_wait3A_275] : memref<4x8x8x132xf32, #tpu.memory_space<vmem>> -> memref<1x1x8x128xf32, #tpu.memory_space<vmem>>
      %dma_wait3A_277 = tpu.memref_squeeze %dma_wait3A_276 : memref<1x1x8x128xf32, #tpu.memory_space<vmem>> -> memref<8x128xf32, #tpu.memory_space<vmem>>
      tpu.wait_dma2 semaphore(%dma_wait3A_269 : memref<!tpu.dma_semaphore, #tpu.memory_space<semaphore_mem>>) src(%dma_wait3A_277 : memref<8x128xf32, #tpu.memory_space<vmem>>) dst(%dma_wait3A_273 : memref<8x128xf32, #tpu.memory_space<hbm>>)
      %dma_wait3A_278 = arith.constant 7 : i32
      %dma_wait3A_279 = arith.constant 7 : i32
      %dma_wait3A_280 = arith.constant 0 : i32
      %dma_wait3A_281 = arith.constant 0 : i32
      %dma_wait3A_282 = tpu.memref_slice %arg7[%rem3A_117, %dma_wait3A_278, %dma_wait3A_280, %dma_wait3A_281] : memref<4x8x8x132xf32, #tpu.memory_space<vmem>> -> memref<1x1x8x128xf32, #tpu.memory_space<vmem>>
      %dma_wait3A_283 = tpu.memref_squeeze %dma_wait3A_282 : memref<1x1x8x128xf32, #tpu.memory_space<vmem>> -> memref<8x128xf32, #tpu.memory_space<vmem>>
      %dma_wait3A_284 = arith.constant 0 : i32
      %dma_wait3A_285 = arith.constant 0 : i32
      %dma_wait3A_286 = tpu.memref_slice %arg4[%select_n3A, %dma_wait3A_279, %rem3A_138, %dma_wait3A_284, %dma_wait3A_285] : memref<50x8x128x8x128xf32, #tpu.memory_space<hbm>> -> memref<1x1x1x8x128xf32, #tpu.memory_space<hbm>>
      %dma_wait3A_287 = tpu.memref_squeeze %dma_wait3A_286 : memref<1x1x1x8x128xf32, #tpu.memory_space<hbm>> -> memref<8x128xf32, #tpu.memory_space<hbm>>
      %dma_wait3A_288 = tpu.memref_slice %arg9[%rem3A_117] : memref<4x!tpu.dma_semaphore, #tpu.memory_space<semaphore_mem>> -> memref<1x!tpu.dma_semaphore, #tpu.memory_space<semaphore_mem>>
      %dma_wait3A_289 = tpu.memref_squeeze %dma_wait3A_288 : memref<1x!tpu.dma_semaphore, #tpu.memory_space<semaphore_mem>> -> memref<!tpu.dma_semaphore, #tpu.memory_space<semaphore_mem>>
      %dma_wait3A_290 = arith.constant 0 : i32
      %dma_wait3A_291 = arith.constant 0 : i32
      %dma_wait3A_292 = tpu.memref_slice %arg4[%select_n3A, %dma_wait3A_279, %rem3A_138, %dma_wait3A_290, %dma_wait3A_291] : memref<50x8x128x8x128xf32, #tpu.memory_space<hbm>> -> memref<1x1x1x8x128xf32, #tpu.memory_space<hbm>>
      %dma_wait3A_293 = tpu.memref_squeeze %dma_wait3A_292 : memref<1x1x1x8x128xf32, #tpu.memory_space<hbm>> -> memref<8x128xf32, #tpu.memory_space<hbm>>
      %dma_wait3A_294 = arith.constant 0 : i32
      %dma_wait3A_295 = arith.constant 0 : i32
      %dma_wait3A_296 = tpu.memref_slice %arg7[%rem3A_117, %dma_wait3A_278, %dma_wait3A_294, %dma_wait3A_295] : memref<4x8x8x132xf32, #tpu.memory_space<vmem>> -> memref<1x1x8x128xf32, #tpu.memory_space<vmem>>
      %dma_wait3A_297 = tpu.memref_squeeze %dma_wait3A_296 : memref<1x1x8x128xf32, #tpu.memory_space<vmem>> -> memref<8x128xf32, #tpu.memory_space<vmem>>
      tpu.wait_dma2 semaphore(%dma_wait3A_289 : memref<!tpu.dma_semaphore, #tpu.memory_space<semaphore_mem>>) src(%dma_wait3A_297 : memref<8x128xf32, #tpu.memory_space<vmem>>) dst(%dma_wait3A_293 : memref<8x128xf32, #tpu.memory_space<hbm>>)
      %scan3A_298 = arith.constant 0 : i32
      scf.yield %scan3A_298 : i32
    }
    %scan3A_114 = arith.constant 4 : i32
    return
  }
}

</mosaic_0001>

<sc_bundles>
// kernel: kernel.3.cloned.1.call-start
scs
__scs_entry_jumppad:
0x0: {  	(pc) =	sbr.rel $0x88, $3  }
0x1: {  	(tag) =	ssettag $0x0;
	lr =	simm.s32 $0x1  }
0x2: {  	[smem:$0x3F9F] =	sst lr;
	_ =	strace $0xD0000000  }
0x3: {  	_ = 	snop  }
0x4: {  	_ = 	snop  }
0x5: {  	_ = 	snop  }
0x6: {  	_ = 	snop  }
0x7: {  	_ = 	snop  }
__scs_overlays_trampoline_lowered:
0x8: {  	[smem:$0x3FAE] =	sst s0  }
0x9: {  	[smem:$0x3FAF] =	sst s1  }
0xa: {  	[smem:$0x3FB0] =	sst s2  }
0xb: {  	[smem:$0x3FB1] =	sst s3  }
0xc: {  	[smem:$0x3FB2] =	sst s4  }
0xd: {  	[smem:$0x3FB3] =	sst s5  }
0xe: {  	[smem:$0x3FB4] =	sst s6  }
0xf: {  	[smem:$0x3FB5] =	sst s7  }
0x10: {  	[smem:$0x3FB6] =	sst s8  }
0x11: {  	[smem:$0x3FB7] =	sst s9;
	s0 =	simm.s32 @!p0 $0x0  }
0x12: {  	s1 =	sld [smem:$0x3F9D];
	s0 =	simm.s32 @p0 $0x1  }
0x13: {  	[smem:$0x3FB8] =	sst s0;
	s0 =	simm.s32 @!p1 $0x0  }
0x14: {  	s2 =	sld [smem:$0x3F9C];
	s0 =	simm.s32 @p1 $0x1  }
0x15: {  	[smem:$0x3FB9] =	sst s0;
	s0 =	simm.s32 @!p2 $0x0  }
0x16: {  	s3 =	sld [smem:$0x3FDB];
	s0 =	simm.s32 @p2 $0x1  }
0x17: {  	s4 =	simm.s32 $0x1BF5;
	[smem:$0x3FBB] =	sst s0  }
0x18: {  	s0 =	sld [smem:$0x3F9E];
	_ =	swait.ge [sflag:s4], $0x0  }
0x19: {  	s7 =	sld [smem:$0x3F9F]  }
0x1a: {  	s8 =	sadd.s32 $0xFFFFE003, lr  }
0x1b: {  	s9 =	sadd.s32 $0xFFFFFEF7, lr;
	s5 =	simm.s32 $0xFFFFFFFF;
	p2 =	slt.u32 s8, $0xFFFFF086  }
0x1c: {  	p1 =	slt.u32 s9, $0xF7A;
	s5 =	simm.s32 @!p2 $0x0  }
0x1d: {  	s5 =	simm.s32 @p1 $0x1;
	p0 =	seq.s32 s7, s2  }
0x1e: {  	s7 =	smul.u32 @!p0 $0xF7A, s2;
	p2 =	seq.s32 @!p0 s5, $0x0  }
0x1f: {  	s9 =	smul.u32 $0xF7A, s1;
	s8 =	simm.s32 @!p0 $0x1BF5;
	p2 =	por !p2, p0  }
0x20: {  	[sflag:s8] =	ssyncset.s32 @!p0 $0xFFFFF086;
	s6 =	sadd.s32 @!p0 s3, s7;
	s7 =	simm.s32 @!p0 $0x108  }
0x21: {  	s3 =	sadd.s32 s3, s9;
	s6 =	sadd.s32 @!p0 $0x88, s6;
	s7 =	simm.s32 @p2 $0x1082  }
0x22: {  	[simem:s7], [sflag:s8] =	dma.local @!p0 [hbm:s6], $0xF7A  }
0x23: {  	s9 =	sor.u32 $0xD0000000, s2;
	s6 =	simm.s32 $0x108;
	_ =	swait.ge @!p0 [sflag:s8], $0x0  }
0x24: {  	s3 =	sadd.s32 $0x88, s3;
	s6 =	simm.s32 @!p1 $0x1082;
	[sflag:s4] =	ssyncset.s32 $0xFFFFF086  }
0x25: {  	[simem:s6], [sflag:s4] =	dma.local [hbm:s3], $0xF7A  }
0x26: {  	[smem:$0x3F9F] =	sst s1;
	(tag) =	ssettag s2;
	_ =	strace s9  }
0x27: {  	s1 =	sld [smem:$0x3FAF]  }
0x28: {  	s2 =	sld [smem:$0x3FB0]  }
0x29: {  	s4 =	sld [smem:$0x3FB2]  }
0x2a: {  	p0 =	seq.s32 s5, $0x0;
	s5 =	sld [smem:$0x3FB3]  }
0x2b: {  	s6 =	sld [smem:$0x3FB4]  }
0x2c: {  	s7 =	sld [smem:$0x3FB5]  }
0x2d: {  	s3 =	simm.s32 $0x108;
	s8 =	sld [smem:$0x3FB6]  }
0x2e: {  	s3 =	simm.s32 @!p0 $0x1082;
	s9 =	sld [smem:$0x3FB7]  }
0x2f: {  	lr =	sadd.s32 s0, s3;
	s0 =	sld [smem:$0x3FAE]  }
0x30: {  	s3 =	sld [smem:$0x3FB1]  }
0x31: {  	[smem:$0x3FBA] =	sst s10  }
0x32: {  	s10 =	sld [smem:$0x3FB8];
	_ =	sdelay $0x3  }
0x33: {  	p0 =	seq.s32 s10, $0x1;
	s10 =	sld [smem:$0x3FBA];
	_ =	sdelay $0x3  }
0x34: {  	[smem:$0x3FBA] =	sst s10  }
0x35: {  	s10 =	sld [smem:$0x3FB9];
	_ =	sdelay $0x3  }
0x36: {  	p1 =	seq.s32 s10, $0x1;
	s10 =	sld [smem:$0x3FBA];
	_ =	sdelay $0x3  }
0x37: {  	[smem:$0x3FBA] =	sst s10  }
0x38: {  	s10 =	sld [smem:$0x3FBB]  }
0x39: {  	_ = 	snop;
	(pc) =	sbr.ind lr, $3  }
0x3a: {  	_ = 	snop  }
0x3b: {  	_ = 	snop  }
0x3c: {  	p2 =	seq.s32 s10, $0x1;
	s10 =	sld [smem:$0x3FBA]  }
0x3d: {  	_ =	shalt  }
0x3e: {  	_ =	shalt  }
0x3f: {  	_ =	shalt  }
0x40: {  	_ =	shalt  }
0x41: {  	_ =	shalt  }
0x42: {  	_ =	shalt  }
0x43: {  	_ =	shalt  }
0x44: {  	_ =	shalt  }
0x45: {  	_ =	shalt  }
0x46: {  	_ =	shalt  }
0x47: {  	_ =	shalt  }
0x48: {  	_ =	shalt  }
0x49: {  	_ =	shalt  }
0x4a: {  	_ =	shalt  }
0x4b: {  	_ =	shalt  }
0x4c: {  	_ =	shalt  }
0x4d: {  	_ =	shalt  }
0x4e: {  	_ =	shalt  }
0x4f: {  	_ =	shalt  }
0x50: {  	_ =	shalt  }
0x51: {  	_ =	shalt  }
0x52: {  	_ =	shalt  }
0x53: {  	_ =	shalt  }
0x54: {  	_ =	shalt  }
0x55: {  	_ =	shalt  }
0x56: {  	_ =	shalt  }
0x57: {  	_ =	shalt  }
0x58: {  	_ =	shalt  }
0x59: {  	_ =	shalt  }
0x5a: {  	_ =	shalt  }
0x5b: {  	_ =	shalt  }
0x5c: {  	_ =	shalt  }
0x5d: {  	_ =	shalt  }
0x5e: {  	_ =	shalt  }
0x5f: {  	_ =	shalt  }
0x60: {  	_ =	shalt  }
0x61: {  	_ =	shalt  }
0x62: {  	_ =	shalt  }
0x63: {  	_ =	shalt  }
0x64: {  	_ =	shalt  }
0x65: {  	_ =	shalt  }
0x66: {  	_ =	shalt  }
0x67: {  	_ =	shalt  }
0x68: {  	_ =	shalt  }
0x69: {  	_ =	shalt  }
0x6a: {  	_ =	shalt  }
0x6b: {  	_ =	shalt  }
0x6c: {  	_ =	shalt  }
0x6d: {  	_ =	shalt  }
0x6e: {  	_ =	shalt  }
0x6f: {  	_ =	shalt  }
0x70: {  	_ =	shalt  }
0x71: {  	_ =	shalt  }
0x72: {  	_ =	shalt  }
0x73: {  	_ =	shalt  }
0x74: {  	_ =	shalt  }
0x75: {  	_ =	shalt  }
0x76: {  	_ =	shalt  }
0x77: {  	_ =	shalt  }
0x78: {  	_ =	shalt  }
0x79: {  	_ =	shalt  }
0x7a: {  	_ =	shalt  }
0x7b: {  	_ =	shalt  }
0x7c: {  	_ =	shalt  }
0x7d: {  	_ =	shalt  }
0x7e: {  	_ =	shalt  }
0x7f: {  	_ =	shalt  }
0x80: {  	_ =	shalt  }
0x81: {  	_ =	shalt  }
0x82: {  	_ =	shalt  }
0x83: {  	_ =	shalt  }
0x84: {  	_ =	shalt  }
0x85: {  	_ =	shalt  }
0x86: {  	_ =	shalt  }
0x87: {  	_ =	shalt  }
.Lfunc_end0:
.L_simem_size_0:
called_computation_lowered:
.L_overlay_start_0:
0x88: {  	s2 =	sld [smem:$0x3FD9]  }
0x89: {  	s3 =	sld [smem:$0x3FFE];
	_ =	sdelay $0x1  }
0x8a: {  	s1 =	srdreg.scid  }
0x8b: {  	s0 =	sand.u32 $0x1, s1  }
0x8c: {  	s17 =	sshll.u32 s0, $0xA;
	s2 =	sadd.s32 s3, s2  }
0x8d: {  	s2 =	sadd.s32 s2, s17  }
0x8e: {  	[smem:$0x3FC6] =	sst s2  }
0x8f: {  	_ = 	snop  }
0x90: {  	s2 =	sld [smem:$0x3FD0];
	(tm) =	ssettm $0x1  }
0x91: {  	s18 =	sld [smem:$0x3FFB];
	_ =	sdelay $0x3  }
0x92: {  	_ =	strace s18  }
0x93: {  	s3 =	sld [smem:$0x3FFC];
	_ =	sdelay $0x3  }
0x94: {  	_ =	strace s3  }
0x95: {  	s3 =	sld [smem:$0x3FFD];
	_ =	sdelay $0x3  }
0x96: {  	_ =	strace s3  }
0x97: {  	_ =	strace $0x8FFFFFFF  }
0x98: {  	s19 =	sld [smem:$0x3FDB];
	_ =	sdelay $0x1  }
0x99: {  	s4 =	simm.s32 $_scs_section_size  }
0x9a: {  	s5 =	simm.s32 $_size__tile_overlayer_lowered;
	s6 =	simm.s32 $_tile_overlayer_lowered  }
0x9b: {  	s22 =	simm.s32 $0x1BFF;
	s21 =	sshll.u32 s6, $0x1;
	s3 =	sadd.s32 s4, s19  }
0x9c: {  	s7 =	simm.s32 $0x0;
	s20 =	sshll.u32 s5, $0x1;
	s5 =	sadd.s32 s21, s3  }
0x9d: {  	[timem:s7], [sflag:s22] =	dma.local [hbm:s5], s20  }
0x9e: {  	_ =	swait.ge [sflag:s22], s20  }
0x9f: {  	s4 =	ssub.s32 $0x0, s20;
	[sflag:s22] =	ssyncset.done $0x0  }
0xa0: {  	[sflag:s22] =	ssyncadd.s32 s4;
	_ =	sdelay $0x1  }
0xa1: {  	s23 =	simm.s32 $0x1B8B  }
0xa2: {  	_ =	swait.ge [sflag:s23], $0x1  }
0xa3: {  	[sflag:s23] =	ssyncset.done $0x0  }
0xa4: {  	s25 =	simm.s32 $0x1B8E;
	s24 =	sld [smem:$0x3FFE];
	[sflag:s23] =	ssyncadd.s32 $0xFFFFFFFF  }
0xa5: {  	s26 =	simm.s32 $execute0_lowered;
	[smem:$0x3FD2] =	sst s25  }
0xa6: {  	s5 =	sshll.u32 s26, $0x1;
	_ =	strace $0x80000046;
	[dreg:$0x1] =	wrdreg $0xFFFFFFFF  }
0xa7: {  	s28 =	simm.s32 $_size_execute0_lowered;
	s3 =	sadd.s32 s3, s5;
	[dreg:$0x0] =	wrdreg $0x0  }
0xa8: {  	s5 =	sshll.u32 s28, $0x1;
	[dreg:$0x2] =	wrdreg s3  }
0xa9: {  	[dreg:$0x3] =	wrdreg s5  }
0xaa: {  	[dreg:$0x4] =	wrdreg $0xC0  }
0xab: {  	_ =	task [dreg:s7], $0x5FFFF  }
0xac: {  	[dreg:$0x1] =	wrdreg $0xFFFFFFFF  }
0xad: {  	[dreg:$0x0] =	wrdreg $0x60  }
0xae: {  	[dreg:$0x2] =	wrdreg s24  }
0xaf: {  	[dreg:$0x3] =	wrdreg s2  }
0xb0: {  	[dreg:$0x4] =	wrdreg $0x9  }
0xb1: {  	_ =	task.clear_ibuf [dreg:s7], $0x5FFFF;
	_ =	strace $0x90000046  }
0xb2: {  	s29 =	simm.s32 $0x9;
	_ =	strace $0x80000048  }
0xb3: {  	_ =	swait.ge [sflag:s29], $0x1  }
0xb4: {  	[sflag:s29] =	ssyncadd.s32 $0xFFFFFFFF  }
0xb5: {  	_ =	strace $0x90000048  }
0xb6: {  	_ =	sfence  }
0xb7: {  	s30 =	sld [smem:$0x0];
	_ =	sdelay $0x2  }
0xb8: {  	s31 =	sshll.u32 s1, $0xD;
	s1 =	sshrl.u32 s1, $0x2  }
0xb9: {  	s3 =	sand.u32 $0x4000, s31;
	s1 =	sadd.s32 s1, s30  }
0xba: {  	s0 =	sor.u32 s3, s0;
	s1 =	sshll.u32 s1, $0x11  }
0xbb: {  	s0 =	sor.u32 s1, s0  }
0xbc: {  	s0 =	sadd.s32 $0x8F2B, s0  }
0xbd: {  	[sflag:s0] =	ssyncadd.remote.s32 $0x1  }
0xbe: {  	_ =	sfence.sel $0xFFFF  }
0xbf: {  	[dreg:$0x0] =	wrdreg $0xFFFFFFFF;
	(pc) =	sbr.abs _section_cstart, $3  }
0xc0: {  	[dreg:$0x1] =	wrdreg $0xFFFFFFFF  }
0xc1: {  	_ =	task.clear_ibuf [dreg:s7], $0x2FFFF;
	_ =	strace $0x9FFFFFFF  }
0xc2: {  	(tm) =	ssettm $0x7FFFFFFF  }
0xc3: {  	_ =	shalt  }
tec
execute0_lowered:
.L_overlay_start_1:
0x0: {  	(tag) =	ssettag $0x1  }
0x1: {  	s0 =	rddreg [dreg:$0x0];
	s1 =	srdreg.scid  }
0x2: {  	s3 =	stileid.u32;
	s2 =	rddreg [dreg:$0x1]  }
0x3: {  	s15 =	simm.s32 $0x9;
	s16 =	simm.s32 $0x80;
	s23 =	simm.s32 $0x5  }
0x4: {  	s24 =	simm.s32 $0x6;
	s25 =	simm.s32 $0x7;
	s26 =	simm.s32 $0x8  }
0x5: {  	s28 =	simm.s32 $0x0;
	s1 =	sand.u32 $0x1, s1;
	s4 =	sshll.u32 s3, $0x1  }
0x6: {  	s3 =	simm.s32 $0x0;
	s7 =	sadd.s32 $0x4000, s2;
	s8 =	sadd.s32 $0x8000, s2  }
0x7: {  	s9 =	sadd.s32 $0xC000, s2;
	s10 =	sadd.s32 $0x10000, s2;
	s5 =	sor.u32 s1, s4  }
0x8: {  	s11 =	sadd.s32 $0x14000, s2;
	s12 =	sadd.s32 $0x18000, s2;
	s6 =	smul.u32 $0xC80, s5  }
0x9: {  	v0 =	vlaneseq.u32;
	s13 =	sadd.s32 $0x1C000, s2;
	[smem:$0x7FF] =	sst s3;
	s1 =	ssub.s32 $0x2, s1  }
0xa: {  	v0 =	vmul.u32 $0x88, v0;
	s4 =	sadd.s32 $0xF5BA00, s0;
	s31 =	sshrl.u32 s1, $0x1;
	s0 =	sadd.s32 s6, s0  }
0xb: {  	_ =	strace $0x80000047;
	s1 =	ssub.s32 s1, s31;
	s0 =	sadd.s32 $0xF42A00, s0  }
0xc: {  	s5 =	smul.u32 $0xC8, s5;
	v1 =	vadd.s32 $0x880, v0;
	v2 =	vadd.s32 $0x1100, v0;
	v3 =	vadd.s32 $0x1980, v0;
	s14 =	smax.u32 s1, $0x1;
	[dreg:$0x3] =	wrdreg s0  }
.LBB2_1:
0xd: {  	s0 =	rddreg [dreg:$0x3]  }
0xe: {  	[tilespmem:s3], [sflag:$0x9] =	stream.linear.gather [hbm4b:s0+s3], $0x6400, $0x38;
	[tilespmem:$0x1EC00] =	vst v63  }
0xf: {  	_ =	swait.ge [sflag:s15], $0x6400  }
0x10: {  	[sflag:s15] =	ssyncset.done $0x0  }
0x11: {  	s19 =	simm.s32 $0x6400;
	[sflag:s15] =	ssyncadd.s32 $0xFFFF9C00  }
0x12: {  	[tilespmem:s19], [sflag:$0x1] =	stream.indirect.gather [hbm4b:s4+s16], $0x80, s3, s16, $0xb8;
	[tilespmem:$0x1EC00] =	vst v63  }
0x13: {  	s20 =	simm.s32 $0xA400  }
0x14: {  	[tilespmem:s20], [sflag:$0x2] =	stream.indirect.gather [hbm4b:s4+s16], $0x80, s16, s16, $0xb8;
	[tilespmem:$0x1EC00] =	vst v63  }
0x15: {  	s21 =	simm.s32 $0x100;
	s1 =	simm.s32 $0xE400;
	s22 =	simm.s32 $0x180  }
0x16: {  	[tilespmem:s1], [sflag:$0x3] =	stream.indirect.gather [hbm4b:s4+s16], $0x80, s21, s16, $0xb8;
	[tilespmem:$0x1EC00] =	vst v63  }
0x17: {  	s31 =	simm.s32 $0x12400;
	s29 =	simm.s32 $0x0;
	s30 =	simm.s32 $0x0  }
0x18: {  	[tilespmem:s31], [sflag:$0x4] =	stream.indirect.gather [hbm4b:s4+s16], $0x80, s22, s16, $0xb8;
	[tilespmem:$0x1EC00] =	vst v63  }
.LBB2_2:
0x19: {  	s1 =	sand.u32 $0x3, s30  }
0x1a: {  	s0 =	sadd.s32 $0x1, s1  }
0x1b: {  	_ =	swait.ge [sflag:s0], $0x4000  }
0x1c: {  	p0 =	slt.u32 s30, $0x4;
	[sflag:s0] =	ssyncset.done $0x0  }
0x1d: {  	s6 =	sadd.s32 @!p0 $0x5, s1;
	[sflag:s0] =	ssyncadd.s32 $0xFFFFC000  }
0x1e: {  	_ =	swait.ge @!p0 [sflag:s6], $0x400  }
0x1f: {  	[sflag:s6] =	ssyncset.done @!p0 $0x0  }
0x20: {  	[sflag:s6] =	ssyncadd.s32 @!p0 $0xFFFFFC00  }
0x21: {  	_ =	swait.ge @!p0 [sflag:s6], $0x400  }
0x22: {  	[sflag:s6] =	ssyncset.done @!p0 $0x0  }
0x23: {  	[sflag:s6] =	ssyncadd.s32 @!p0 $0xFFFFFC00  }
0x24: {  	_ =	swait.ge @!p0 [sflag:s6], $0x400  }
0x25: {  	[sflag:s6] =	ssyncset.done @!p0 $0x0  }
0x26: {  	[sflag:s6] =	ssyncadd.s32 @!p0 $0xFFFFFC00  }
0x27: {  	_ =	swait.ge @!p0 [sflag:s6], $0x400  }
0x28: {  	[sflag:s6] =	ssyncset.done @!p0 $0x0  }
0x29: {  	[sflag:s6] =	ssyncadd.s32 @!p0 $0xFFFFFC00  }
0x2a: {  	_ =	swait.ge @!p0 [sflag:s6], $0x400  }
0x2b: {  	[sflag:s6] =	ssyncset.done @!p0 $0x0  }
0x2c: {  	[sflag:s6] =	ssyncadd.s32 @!p0 $0xFFFFFC00  }
0x2d: {  	_ =	swait.ge @!p0 [sflag:s6], $0x400  }
0x2e: {  	[sflag:s6] =	ssyncset.done @!p0 $0x0  }
0x2f: {  	[sflag:s6] =	ssyncadd.s32 @!p0 $0xFFFFFC00  }
0x30: {  	_ =	swait.ge @!p0 [sflag:s6], $0x400  }
0x31: {  	[sflag:s6] =	ssyncset.done @!p0 $0x0  }
0x32: {  	[sflag:s6] =	ssyncadd.s32 @!p0 $0xFFFFFC00  }
0x33: {  	s17 =	sand.u32 $0x3, s29;
	s18 =	simm.s32 $0x0;
	_ =	swait.ge @!p0 [sflag:s6], $0x400  }
0x34: {  	s17 =	sshll.u32 s17, $0xE;
	v4 =	vmov s18;
	[sflag:s6] =	ssyncset.done @!p0 $0x0  }
0x35: {  	s22 =	sadd.s32 $0x6420, s17;
	v8 =	vand.u32 $0x7F, v4;
	[sflag:s6] =	ssyncadd.s32 @!p0 $0xFFFFFC00  }
0x36: {  	v6 =	vadd.s32 v0, v8;
	v5 =	vld [tilespmem:s22+$0xFFFFFFE0]  }
0x37: {  	s17 =	smul.u32 $0x8800, s1  }
0x38: {  	s18 =	simm.s32 $0x1  }
0x39: {  	v4 =	vmov s18;
	s31 =	sshrl.u32 s17, $0x2  }
0x3a: {  	v4 =	vand.u32 $0x7F, v4;
	s18 =	sadd.s32 $0x80, s22;
	s17 =	sadd.s32 $0x16400, s31  }
0x3b: {  	v7 =	vadd.s32 v0, v4;
	[tilespmem:v6+s17+$0x0] =	vst.idx.msk $0xffff, v5;
	v6 =	vld [tilespmem:s18+$0xFFFFFFE0]  }
0x3c: {  	v10 =	vadd.s32 v1, v8;
	v9 =	vld [tilespmem:s22+$0xFFFFFFF0]  }
0x3d: {  	s19 =	simm.s32 $0x2  }
0x3e: {  	v5 =	vmov s19  }
0x3f: {  	s19 =	sadd.s32 $0x80, s18;
	v5 =	vand.u32 $0x7F, v5  }
0x40: {  	[tilespmem:v7+s17+$0x0] =	vst.idx.msk $0xffff, v6;
	v6 =	vld [tilespmem:s19+$0xFFFFFFE0];
	v7 =	vadd.s32 v0, v5  }
0x41: {  	v11 =	vadd.s32 v1, v4;
	[tilespmem:v10+s17+$0x0] =	vst.idx.msk $0xffff, v9;
	v9 =	vld [tilespmem:s18+$0xFFFFFFF0]  }
0x42: {  	v14 =	vadd.s32 v2, v8;
	v12 =	vld [tilespmem:s22+$0x0]  }
0x43: {  	s20 =	simm.s32 $0x3  }
0x44: {  	v13 =	vmov s20  }
0x45: {  	s21 =	sadd.s32 $0x80, s19;
	[tilespmem:v7+s17+$0x0] =	vst.idx.msk $0xffff, v6;
	v6 =	vand.u32 $0x7F, v13  }
0x46: {  	v10 =	vld [tilespmem:s21+$0xFFFFFFE0];
	[tilespmem:v11+s17+$0x0] =	vst.idx.msk $0xffff, v9;
	v13 =	vadd.s32 v0, v6  }
0x47: {  	v11 =	vld [tilespmem:s19+$0xFFFFFFF0];
	[tilespmem:v14+s17+$0x0] =	vst.idx.msk $0xffff, v12;
	v14 =	vadd.s32 v1, v5  }
0x48: {  	s20 =	sshll.u32 s1, $0xE;
	v9 =	vld [tilespmem:s18+$0x0];
	v12 =	vadd.s32 v2, v4  }
0x49: {  	s20 =	sadd.s32 $0x6400, s20;
	v8 =	vadd.s32 v3, v8;
	s6 =	simm.s32 $0x4;
	v7 =	vld [tilespmem:s22+$0x10];
	s22 =	smov.u32 s21  }
.LBB2_3:
0x4a: {  	v15 =	vmov s6;
	p0 =	sne.s32 s6, $0x7F  }
.Ltmp0:
0x4b: {  	s21 =	sadd.s32 $0x80, s21;
	v15 =	vand.u32 $0x7F, v15;
	[tilespmem:v13+s17+$0x0] =	vst.idx.msk $0xffff, v10;
	(pc) =	sbr.rel @p0 .LBB2_3-.Ltmp0, $4  }
0x4c: {  	v10 =	vld [tilespmem:s21+$0xFFFFFFE0];
	v13 =	vadd.s32 v0, v15;
	[tilespmem:v14+s17+$0x0] =	vst.idx.msk $0xffff, v11  }
0x4d: {  	s6 =	sadd.s32 $0x1, s6;
	v14 =	vadd.s32 v1, v6;
	v11 =	vld [tilespmem:s22+$0xFFFFFFF0];
	[tilespmem:v12+s17+$0x0] =	vst.idx.msk $0xffff, v9  }
0x4e: {  	v12 =	vadd.s32 v2, v5;
	v9 =	vld [tilespmem:s19+$0x0];
	[tilespmem:v8+s17+$0x0] =	vst.idx.msk $0xffff, v7  }
0x4f: {  	v8 =	vadd.s32 v3, v4;
	v4 =	vmovc v5;
	v5 =	vmov v6;
	v6 =	vmov v15;
	v7 =	vld [tilespmem:s18+$0x10];
	s18 =	smov.u32 s19;
	s19 =	smov.u32 s22;
	s22 =	smov.u32 s21  }
0x50: {  	_ =	sdelay $0x3  }
0x51: {  	[tilespmem:v13+s17+$0x0] =	vst.idx.msk $0xffff, v10  }
0x52: {  	v60 =	vadd.s32 v1, v6;
	v10 =	vld [tilespmem:s22+$0xFFFFFFF0];
	_ =	sdelay $0x3  }
0x53: {  	[tilespmem:v14+s17+$0x0] =	vst.idx.msk $0xffff, v11  }
0x54: {  	v61 =	vadd.s32 v2, v5;
	v11 =	vld [tilespmem:s19+$0x0];
	[tilespmem:v60+s17+$0x0] =	vst.idx.msk $0xffff, v10  }
0x55: {  	v62 =	vadd.s32 v2, v6;
	v10 =	vld [tilespmem:s22+$0x0];
	_ =	sdelay $0x2  }
0x56: {  	[tilespmem:v12+s17+$0x0] =	vst.idx.msk $0xffff, v9  }
0x57: {  	v4 =	vadd.s32 v3, v4;
	v9 =	vld [tilespmem:s18+$0x10];
	[tilespmem:v61+s17+$0x0] =	vst.idx.msk $0xffff, v11  }
0x58: {  	v5 =	vadd.s32 v3, v5;
	v11 =	vld [tilespmem:s19+$0x10];
	[tilespmem:v62+s17+$0x0] =	vst.idx.msk $0xffff, v10  }
0x59: {  	v63 =	vadd.s32 v3, v6;
	v10 =	vld [tilespmem:s22+$0x10];
	_ =	sdelay $0x1  }
0x5a: {  	p0 =	sgt.u32 s30, $0xC3;
	[tilespmem:v8+s17+$0x0] =	vst.idx.msk $0xffff, v7  }
0x5b: {  	s6 =	sshll.u32 @!p0 s30, $0x7;
	[tilespmem:v4+s17+$0x0] =	vst.idx.msk $0xffff, v9  }
0x5c: {  	s6 =	sand.u32 @!p0 $0x3FFFFF80, s6;
	[tilespmem:v5+s17+$0x0] =	vst.idx.msk $0xffff, v11  }
0x5d: {  	s6 =	sadd.s32 @!p0 $0x200, s6;
	s18 =	simm.s32 @!p0 $0x80;
	[tilespmem:v63+s17+$0x0] =	vst.idx.msk $0xffff, v10  }
0x5e: {  	[tilespmem:s20], [sflag:s0] =	stream.indirect.gather @!p0 [hbm4b:s4+s18], $0x80, s6, s18, $0xb8;
	[tilespmem:$0x1EC00] =	vst v63  }
0x5f: {  	s6 =	sadd.s32 s5, s30  }
0x60: {  	s18 =	sshll.u32 s6, $0xA;
	s0 =	sshll.u32 s6, $0x7  }
0x61: {  	s6 =	sand.u32 $0xFFE0000, s18;
	s0 =	sand.u32 $0x3F80, s0  }
0x62: {  	s0 =	sor.u32 s0, s6  }
0x63: {  	s1 =	sadd.s32 $0x5, s1;
	s6 =	sadd.s32 s2, s0  }
0x64: {  	[hbm4b:s6+s3] =	stream.linear.scatter [tilespmem:s17], [sflag:s1], $0x80, $0x38;
	[tilespmem:$0x1EC00] =	vst v63  }
0x65: {  	s19 =	sadd.s32 $0x16488, s31;
	s20 =	sadd.s32 $0x10, s6  }
0x66: {  	[hbm4b:s20+s3] =	stream.linear.scatter [tilespmem:s19], [sflag:s1], $0x80, $0x38;
	[tilespmem:$0x1EC00] =	vst v63  }
0x67: {  	s21 =	sadd.s32 $0x16510, s31;
	s22 =	sadd.s32 $0x20, s6  }
0x68: {  	[hbm4b:s22+s3] =	stream.linear.scatter [tilespmem:s21], [sflag:s1], $0x80, $0x38;
	[tilespmem:$0x1EC00] =	vst v63  }
0x69: {  	s19 =	sadd.s32 $0x16598, s31;
	s20 =	sadd.s32 $0x30, s6  }
0x6a: {  	[hbm4b:s20+s3] =	stream.linear.scatter [tilespmem:s19], [sflag:s1], $0x80, $0x38;
	[tilespmem:$0x1EC00] =	vst v63  }
0x6b: {  	s21 =	sadd.s32 $0x16620, s31;
	s22 =	sadd.s32 $0x40, s6  }
0x6c: {  	[hbm4b:s22+s3] =	stream.linear.scatter [tilespmem:s21], [sflag:s1], $0x80, $0x38;
	[tilespmem:$0x1EC00] =	vst v63  }
0x6d: {  	s18 =	sadd.s32 $0x166A8, s31;
	s19 =	sadd.s32 $0x50, s6  }
0x6e: {  	[hbm4b:s19+s3] =	stream.linear.scatter [tilespmem:s18], [sflag:s1], $0x80, $0x38;
	[tilespmem:$0x1EC00] =	vst v63  }
0x6f: {  	s20 =	sadd.s32 $0x16730, s31;
	s21 =	sadd.s32 $0x60, s6  }
0x70: {  	[hbm4b:s21+s3] =	stream.linear.scatter [tilespmem:s20], [sflag:s1], $0x80, $0x38;
	[tilespmem:$0x1EC00] =	vst v63  }
0x71: {  	s22 =	sadd.s32 $0x167B8, s31;
	s6 =	sadd.s32 $0x70, s6  }
0x72: {  	[hbm4b:s6+s3] =	stream.linear.scatter [tilespmem:s22], [sflag:s1], $0x80, $0x38;
	[tilespmem:$0x1EC00] =	vst v63  }
0x73: {  	s18 =	sadd.s32 $0x16840, s31;
	s6 =	sadd.s32 s0, s7  }
0x74: {  	[hbm4b:s6+s3] =	stream.linear.scatter [tilespmem:s18], [sflag:s1], $0x80, $0x38;
	[tilespmem:$0x1EC00] =	vst v63  }
0x75: {  	s19 =	sadd.s32 $0x168C8, s31;
	s20 =	sadd.s32 $0x10, s6  }
0x76: {  	[hbm4b:s20+s3] =	stream.linear.scatter [tilespmem:s19], [sflag:s1], $0x80, $0x38;
	[tilespmem:$0x1EC00] =	vst v63  }
0x77: {  	s21 =	sadd.s32 $0x16950, s31;
	s22 =	sadd.s32 $0x20, s6  }
0x78: {  	[hbm4b:s22+s3] =	stream.linear.scatter [tilespmem:s21], [sflag:s1], $0x80, $0x38;
	[tilespmem:$0x1EC00] =	vst v63  }
0x79: {  	s19 =	sadd.s32 $0x169D8, s31;
	s20 =	sadd.s32 $0x30, s6  }
0x7a: {  	[hbm4b:s20+s3] =	stream.linear.scatter [tilespmem:s19], [sflag:s1], $0x80, $0x38;
	[tilespmem:$0x1EC00] =	vst v63  }
0x7b: {  	s21 =	sadd.s32 $0x16A60, s31;
	s22 =	sadd.s32 $0x40, s6  }
0x7c: {  	[hbm4b:s22+s3] =	stream.linear.scatter [tilespmem:s21], [sflag:s1], $0x80, $0x38;
	[tilespmem:$0x1EC00] =	vst v63  }
0x7d: {  	s18 =	sadd.s32 $0x16AE8, s31;
	s19 =	sadd.s32 $0x50, s6  }
0x7e: {  	[hbm4b:s19+s3] =	stream.linear.scatter [tilespmem:s18], [sflag:s1], $0x80, $0x38;
	[tilespmem:$0x1EC00] =	vst v63  }
0x7f: {  	s20 =	sadd.s32 $0x16B70, s31;
	s21 =	sadd.s32 $0x60, s6  }
0x80: {  	[hbm4b:s21+s3] =	stream.linear.scatter [tilespmem:s20], [sflag:s1], $0x80, $0x38;
	[tilespmem:$0x1EC00] =	vst v63  }
0x81: {  	s22 =	sadd.s32 $0x16BF8, s31;
	s6 =	sadd.s32 $0x70, s6  }
0x82: {  	[hbm4b:s6+s3] =	stream.linear.scatter [tilespmem:s22], [sflag:s1], $0x80, $0x38;
	[tilespmem:$0x1EC00] =	vst v63  }
0x83: {  	s18 =	sadd.s32 $0x16C80, s31;
	s6 =	sadd.s32 s0, s8  }
0x84: {  	[hbm4b:s6+s3] =	stream.linear.scatter [tilespmem:s18], [sflag:s1], $0x80, $0x38;
	[tilespmem:$0x1EC00] =	vst v63  }
0x85: {  	s19 =	sadd.s32 $0x16D08, s31;
	s20 =	sadd.s32 $0x10, s6  }
0x86: {  	[hbm4b:s20+s3] =	stream.linear.scatter [tilespmem:s19], [sflag:s1], $0x80, $0x38;
	[tilespmem:$0x1EC00] =	vst v63  }
0x87: {  	s21 =	sadd.s32 $0x16D90, s31;
	s22 =	sadd.s32 $0x20, s6  }
0x88: {  	[hbm4b:s22+s3] =	stream.linear.scatter [tilespmem:s21], [sflag:s1], $0x80, $0x38;
	[tilespmem:$0x1EC00] =	vst v63  }
0x89: {  	s19 =	sadd.s32 $0x16E18, s31;
	s20 =	sadd.s32 $0x30, s6  }
0x8a: {  	[hbm4b:s20+s3] =	stream.linear.scatter [tilespmem:s19], [sflag:s1], $0x80, $0x38;
	[tilespmem:$0x1EC00] =	vst v63  }
0x8b: {  	s21 =	sadd.s32 $0x16EA0, s31;
	s22 =	sadd.s32 $0x40, s6  }
0x8c: {  	[hbm4b:s22+s3] =	stream.linear.scatter [tilespmem:s21], [sflag:s1], $0x80, $0x38;
	[tilespmem:$0x1EC00] =	vst v63  }
0x8d: {  	s18 =	sadd.s32 $0x16F28, s31;
	s19 =	sadd.s32 $0x50, s6  }
0x8e: {  	[hbm4b:s19+s3] =	stream.linear.scatter [tilespmem:s18], [sflag:s1], $0x80, $0x38;
	[tilespmem:$0x1EC00] =	vst v63  }
0x8f: {  	s20 =	sadd.s32 $0x16FB0, s31;
	s21 =	sadd.s32 $0x60, s6  }
0x90: {  	[hbm4b:s21+s3] =	stream.linear.scatter [tilespmem:s20], [sflag:s1], $0x80, $0x38;
	[tilespmem:$0x1EC00] =	vst v63  }
0x91: {  	s22 =	sadd.s32 $0x17038, s31;
	s6 =	sadd.s32 $0x70, s6  }
0x92: {  	[hbm4b:s6+s3] =	stream.linear.scatter [tilespmem:s22], [sflag:s1], $0x80, $0x38;
	[tilespmem:$0x1EC00] =	vst v63  }
0x93: {  	s18 =	sadd.s32 $0x170C0, s31;
	s6 =	sadd.s32 s0, s9  }
0x94: {  	[hbm4b:s6+s3] =	stream.linear.scatter [tilespmem:s18], [sflag:s1], $0x80, $0x38;
	[tilespmem:$0x1EC00] =	vst v63  }
0x95: {  	s19 =	sadd.s32 $0x17148, s31;
	s20 =	sadd.s32 $0x10, s6  }
0x96: {  	[hbm4b:s20+s3] =	stream.linear.scatter [tilespmem:s19], [sflag:s1], $0x80, $0x38;
	[tilespmem:$0x1EC00] =	vst v63  }
0x97: {  	s21 =	sadd.s32 $0x171D0, s31;
	s22 =	sadd.s32 $0x20, s6  }
0x98: {  	[hbm4b:s22+s3] =	stream.linear.scatter [tilespmem:s21], [sflag:s1], $0x80, $0x38;
	[tilespmem:$0x1EC00] =	vst v63  }
0x99: {  	s19 =	sadd.s32 $0x17258, s31;
	s20 =	sadd.s32 $0x30, s6  }
0x9a: {  	[hbm4b:s20+s3] =	stream.linear.scatter [tilespmem:s19], [sflag:s1], $0x80, $0x38;
	[tilespmem:$0x1EC00] =	vst v63  }
0x9b: {  	s21 =	sadd.s32 $0x172E0, s31;
	s22 =	sadd.s32 $0x40, s6  }
0x9c: {  	[hbm4b:s22+s3] =	stream.linear.scatter [tilespmem:s21], [sflag:s1], $0x80, $0x38;
	[tilespmem:$0x1EC00] =	vst v63  }
0x9d: {  	s18 =	sadd.s32 $0x17368, s31;
	s19 =	sadd.s32 $0x50, s6  }
0x9e: {  	[hbm4b:s19+s3] =	stream.linear.scatter [tilespmem:s18], [sflag:s1], $0x80, $0x38;
	[tilespmem:$0x1EC00] =	vst v63  }
0x9f: {  	s20 =	sadd.s32 $0x173F0, s31;
	s21 =	sadd.s32 $0x60, s6  }
0xa0: {  	[hbm4b:s21+s3] =	stream.linear.scatter [tilespmem:s20], [sflag:s1], $0x80, $0x38;
	[tilespmem:$0x1EC00] =	vst v63  }
0xa1: {  	s22 =	sadd.s32 $0x17478, s31;
	s6 =	sadd.s32 $0x70, s6  }
0xa2: {  	[hbm4b:s6+s3] =	stream.linear.scatter [tilespmem:s22], [sflag:s1], $0x80, $0x38;
	[tilespmem:$0x1EC00] =	vst v63  }
0xa3: {  	s18 =	sadd.s32 $0x17500, s31;
	s6 =	sadd.s32 s0, s10  }
0xa4: {  	[hbm4b:s6+s3] =	stream.linear.scatter [tilespmem:s18], [sflag:s1], $0x80, $0x38;
	[tilespmem:$0x1EC00] =	vst v63  }
0xa5: {  	s19 =	sadd.s32 $0x17588, s31;
	s20 =	sadd.s32 $0x10, s6  }
0xa6: {  	[hbm4b:s20+s3] =	stream.linear.scatter [tilespmem:s19], [sflag:s1], $0x80, $0x38;
	[tilespmem:$0x1EC00] =	vst v63  }
0xa7: {  	s21 =	sadd.s32 $0x17610, s31;
	s22 =	sadd.s32 $0x20, s6  }
0xa8: {  	[hbm4b:s22+s3] =	stream.linear.scatter [tilespmem:s21], [sflag:s1], $0x80, $0x38;
	[tilespmem:$0x1EC00] =	vst v63  }
0xa9: {  	s19 =	sadd.s32 $0x17698, s31;
	s20 =	sadd.s32 $0x30, s6  }
0xaa: {  	[hbm4b:s20+s3] =	stream.linear.scatter [tilespmem:s19], [sflag:s1], $0x80, $0x38;
	[tilespmem:$0x1EC00] =	vst v63  }
0xab: {  	s21 =	sadd.s32 $0x17720, s31;
	s22 =	sadd.s32 $0x40, s6  }
0xac: {  	[hbm4b:s22+s3] =	stream.linear.scatter [tilespmem:s21], [sflag:s1], $0x80, $0x38;
	[tilespmem:$0x1EC00] =	vst v63  }
0xad: {  	s18 =	sadd.s32 $0x177A8, s31;
	s19 =	sadd.s32 $0x50, s6  }
0xae: {  	[hbm4b:s19+s3] =	stream.linear.scatter [tilespmem:s18], [sflag:s1], $0x80, $0x38;
	[tilespmem:$0x1EC00] =	vst v63  }
0xaf: {  	s20 =	sadd.s32 $0x17830, s31;
	s21 =	sadd.s32 $0x60, s6  }
0xb0: {  	[hbm4b:s21+s3] =	stream.linear.scatter [tilespmem:s20], [sflag:s1], $0x80, $0x38;
	[tilespmem:$0x1EC00] =	vst v63  }
0xb1: {  	s22 =	sadd.s32 $0x178B8, s31;
	s6 =	sadd.s32 $0x70, s6  }
0xb2: {  	[hbm4b:s6+s3] =	stream.linear.scatter [tilespmem:s22], [sflag:s1], $0x80, $0x38;
	[tilespmem:$0x1EC00] =	vst v63  }
0xb3: {  	s18 =	sadd.s32 $0x17940, s31;
	s6 =	sadd.s32 s0, s11  }
0xb4: {  	[hbm4b:s6+s3] =	stream.linear.scatter [tilespmem:s18], [sflag:s1], $0x80, $0x38;
	[tilespmem:$0x1EC00] =	vst v63  }
0xb5: {  	s19 =	sadd.s32 $0x179C8, s31;
	s20 =	sadd.s32 $0x10, s6  }
0xb6: {  	[hbm4b:s20+s3] =	stream.linear.scatter [tilespmem:s19], [sflag:s1], $0x80, $0x38;
	[tilespmem:$0x1EC00] =	vst v63  }
0xb7: {  	s21 =	sadd.s32 $0x17A50, s31;
	s22 =	sadd.s32 $0x20, s6  }
0xb8: {  	[hbm4b:s22+s3] =	stream.linear.scatter [tilespmem:s21], [sflag:s1], $0x80, $0x38;
	[tilespmem:$0x1EC00] =	vst v63  }
0xb9: {  	s19 =	sadd.s32 $0x17AD8, s31;
	s20 =	sadd.s32 $0x30, s6  }
0xba: {  	[hbm4b:s20+s3] =	stream.linear.scatter [tilespmem:s19], [sflag:s1], $0x80, $0x38;
	[tilespmem:$0x1EC00] =	vst v63  }
0xbb: {  	s21 =	sadd.s32 $0x17B60, s31;
	s22 =	sadd.s32 $0x40, s6  }
0xbc: {  	[hbm4b:s22+s3] =	stream.linear.scatter [tilespmem:s21], [sflag:s1], $0x80, $0x38;
	[tilespmem:$0x1EC00] =	vst v63  }
0xbd: {  	s19 =	sadd.s32 $0x17BE8, s31;
	s20 =	sadd.s32 $0x50, s6  }
0xbe: {  	[hbm4b:s20+s3] =	stream.linear.scatter [tilespmem:s19], [sflag:s1], $0x80, $0x38;
	[tilespmem:$0x1EC00] =	vst v63  }
0xbf: {  	s21 =	sadd.s32 $0x17C70, s31;
	s22 =	sadd.s32 $0x60, s6  }
0xc0: {  	[hbm4b:s22+s3] =	stream.linear.scatter [tilespmem:s21], [sflag:s1], $0x80, $0x38;
	[tilespmem:$0x1EC00] =	vst v63  }
0xc1: {  	s6 =	sadd.s32 $0x70, s6;
	s19 =	sadd.s32 $0x17CF8, s31  }
0xc2: {  	[hbm4b:s6+s3] =	stream.linear.scatter [tilespmem:s19], [sflag:s1], $0x80, $0x38;
	[tilespmem:$0x1EC00] =	vst v63  }
0xc3: {  	s20 =	sadd.s32 $0x17D80, s31;
	s6 =	sadd.s32 s0, s12  }
0xc4: {  	[hbm4b:s6+s3] =	stream.linear.scatter [tilespmem:s20], [sflag:s1], $0x80, $0x38;
	[tilespmem:$0x1EC00] =	vst v63  }
0xc5: {  	s21 =	sadd.s32 $0x17E08, s31;
	s22 =	sadd.s32 $0x10, s6  }
0xc6: {  	[hbm4b:s22+s3] =	stream.linear.scatter [tilespmem:s21], [sflag:s1], $0x80, $0x38;
	[tilespmem:$0x1EC00] =	vst v63  }
0xc7: {  	s19 =	sadd.s32 $0x17E90, s31;
	s20 =	sadd.s32 $0x20, s6  }
0xc8: {  	[hbm4b:s20+s3] =	stream.linear.scatter [tilespmem:s19], [sflag:s1], $0x80, $0x38;
	[tilespmem:$0x1EC00] =	vst v63  }
0xc9: {  	s21 =	sadd.s32 $0x17F18, s31;
	s22 =	sadd.s32 $0x30, s6  }
0xca: {  	[hbm4b:s22+s3] =	stream.linear.scatter [tilespmem:s21], [sflag:s1], $0x80, $0x38;
	[tilespmem:$0x1EC00] =	vst v63  }
0xcb: {  	s19 =	sadd.s32 $0x17FA0, s31;
	s20 =	sadd.s32 $0x40, s6  }
0xcc: {  	[hbm4b:s20+s3] =	stream.linear.scatter [tilespmem:s19], [sflag:s1], $0x80, $0x38;
	[tilespmem:$0x1EC00] =	vst v63  }
0xcd: {  	s21 =	sadd.s32 $0x18028, s31;
	s22 =	sadd.s32 $0x50, s6  }
0xce: {  	[hbm4b:s22+s3] =	stream.linear.scatter [tilespmem:s21], [sflag:s1], $0x80, $0x38;
	[tilespmem:$0x1EC00] =	vst v63  }
0xcf: {  	s19 =	sadd.s32 $0x180B0, s31;
	s20 =	sadd.s32 $0x60, s6  }
0xd0: {  	[hbm4b:s20+s3] =	stream.linear.scatter [tilespmem:s19], [sflag:s1], $0x80, $0x38;
	[tilespmem:$0x1EC00] =	vst v63  }
0xd1: {  	s6 =	sadd.s32 $0x70, s6;
	s21 =	sadd.s32 $0x18138, s31  }
0xd2: {  	[hbm4b:s6+s3] =	stream.linear.scatter [tilespmem:s21], [sflag:s1], $0x80, $0x38;
	[tilespmem:$0x1EC00] =	vst v63  }
0xd3: {  	s0 =	sadd.s32 s0, s13;
	s22 =	sadd.s32 $0x181C0, s31  }
0xd4: {  	[hbm4b:s0+s3] =	stream.linear.scatter [tilespmem:s22], [sflag:s1], $0x80, $0x38;
	[tilespmem:$0x1EC00] =	vst v63  }
0xd5: {  	s17 =	sadd.s32 $0x18248, s31;
	s18 =	sadd.s32 $0x10, s0  }
0xd6: {  	[hbm4b:s18+s3] =	stream.linear.scatter [tilespmem:s17], [sflag:s1], $0x80, $0x38;
	[tilespmem:$0x1EC00] =	vst v63  }
0xd7: {  	s19 =	sadd.s32 $0x182D0, s31;
	s20 =	sadd.s32 $0x20, s0  }
0xd8: {  	[hbm4b:s20+s3] =	stream.linear.scatter [tilespmem:s19], [sflag:s1], $0x80, $0x38;
	[tilespmem:$0x1EC00] =	vst v63  }
0xd9: {  	s21 =	sadd.s32 $0x18358, s31;
	s22 =	sadd.s32 $0x30, s0  }
0xda: {  	[hbm4b:s22+s3] =	stream.linear.scatter [tilespmem:s21], [sflag:s1], $0x80, $0x38;
	[tilespmem:$0x1EC00] =	vst v63  }
0xdb: {  	s30 =	sadd.s32 $0x1, s30;
	s17 =	sadd.s32 $0x183E0, s31;
	s18 =	sadd.s32 $0x40, s0  }
0xdc: {  	[hbm4b:s18+s3] =	stream.linear.scatter [tilespmem:s17], [sflag:s1], $0x80, $0x38;
	[tilespmem:$0x1EC00] =	vst v63  }
0xdd: {  	p0 =	sne.s32 s30, $0xC8;
	s19 =	sadd.s32 $0x18468, s31;
	s20 =	sadd.s32 $0x50, s0  }
0xde: {  	[hbm4b:s20+s3] =	stream.linear.scatter [tilespmem:s19], [sflag:s1], $0x80, $0x38;
	[tilespmem:$0x1EC00] =	vst v63  }
.Ltmp1:
0xdf: {  	_ = 	snop;
	(pc) =	sbr.rel @p0 .LBB2_2-.Ltmp1, $4  }
0xe0: {  	s21 =	sadd.s32 $0x184F0, s31;
	s22 =	sadd.s32 $0x60, s0  }
0xe1: {  	[hbm4b:s22+s3] =	stream.linear.scatter [tilespmem:s21], [sflag:s1], $0x80, $0x38;
	[tilespmem:$0x1EC00] =	vst v63  }
0xe2: {  	s29 =	sadd.s32 $0x1, s29;
	s31 =	sadd.s32 $0x18578, s31;
	s0 =	sadd.s32 $0x70, s0  }
0xe3: {  	[hbm4b:s0+s3] =	stream.linear.scatter [tilespmem:s31], [sflag:s1], $0x80, $0x38;
	[tilespmem:$0x1EC00] =	vst v63  }
0xe4: {  	_ =	swait.ge [sflag:s23], $0x400  }
0xe5: {  	[sflag:s23] =	ssyncset.done $0x0  }
0xe6: {  	[sflag:s23] =	ssyncadd.s32 $0xFFFFFC00  }
0xe7: {  	_ =	swait.ge [sflag:s23], $0x400  }
0xe8: {  	[sflag:s23] =	ssyncset.done $0x0  }
0xe9: {  	[sflag:s23] =	ssyncadd.s32 $0xFFFFFC00  }
0xea: {  	_ =	swait.ge [sflag:s23], $0x400  }
0xeb: {  	[sflag:s23] =	ssyncset.done $0x0  }
0xec: {  	[sflag:s23] =	ssyncadd.s32 $0xFFFFFC00  }
0xed: {  	_ =	swait.ge [sflag:s23], $0x400  }
0xee: {  	[sflag:s23] =	ssyncset.done $0x0  }
0xef: {  	[sflag:s23] =	ssyncadd.s32 $0xFFFFFC00  }
0xf0: {  	_ =	swait.ge [sflag:s23], $0x400  }
0xf1: {  	[sflag:s23] =	ssyncset.done $0x0  }
0xf2: {  	[sflag:s23] =	ssyncadd.s32 $0xFFFFFC00  }
0xf3: {  	_ =	swait.ge [sflag:s23], $0x400  }
0xf4: {  	[sflag:s23] =	ssyncset.done $0x0  }
0xf5: {  	[sflag:s23] =	ssyncadd.s32 $0xFFFFFC00  }
0xf6: {  	_ =	swait.ge [sflag:s23], $0x400  }
0xf7: {  	[sflag:s23] =	ssyncset.done $0x0  }
0xf8: {  	[sflag:s23] =	ssyncadd.s32 $0xFFFFFC00  }
0xf9: {  	_ =	swait.ge [sflag:s23], $0x400  }
0xfa: {  	[sflag:s23] =	ssyncset.done $0x0  }
0xfb: {  	[sflag:s23] =	ssyncadd.s32 $0xFFFFFC00  }
0xfc: {  	_ =	swait.ge [sflag:s24], $0x400  }
0xfd: {  	[sflag:s24] =	ssyncset.done $0x0  }
0xfe: {  	[sflag:s24] =	ssyncadd.s32 $0xFFFFFC00  }
0xff: {  	_ =	swait.ge [sflag:s24], $0x400  }
0x100: {  	[sflag:s24] =	ssyncset.done $0x0  }
0x101: {  	[sflag:s24] =	ssyncadd.s32 $0xFFFFFC00  }
0x102: {  	_ =	swait.ge [sflag:s24], $0x400  }
0x103: {  	[sflag:s24] =	ssyncset.done $0x0  }
0x104: {  	[sflag:s24] =	ssyncadd.s32 $0xFFFFFC00  }
0x105: {  	_ =	swait.ge [sflag:s24], $0x400  }
0x106: {  	[sflag:s24] =	ssyncset.done $0x0  }
0x107: {  	[sflag:s24] =	ssyncadd.s32 $0xFFFFFC00  }
0x108: {  	_ =	swait.ge [sflag:s24], $0x400  }
0x109: {  	[sflag:s24] =	ssyncset.done $0x0  }
0x10a: {  	[sflag:s24] =	ssyncadd.s32 $0xFFFFFC00  }
0x10b: {  	_ =	swait.ge [sflag:s24], $0x400  }
0x10c: {  	[sflag:s24] =	ssyncset.done $0x0  }
0x10d: {  	[sflag:s24] =	ssyncadd.s32 $0xFFFFFC00  }
0x10e: {  	_ =	swait.ge [sflag:s24], $0x400  }
0x10f: {  	[sflag:s24] =	ssyncset.done $0x0  }
0x110: {  	[sflag:s24] =	ssyncadd.s32 $0xFFFFFC00  }
0x111: {  	_ =	swait.ge [sflag:s24], $0x400  }
0x112: {  	[sflag:s24] =	ssyncset.done $0x0  }
0x113: {  	[sflag:s24] =	ssyncadd.s32 $0xFFFFFC00  }
0x114: {  	_ =	swait.ge [sflag:s25], $0x400  }
0x115: {  	[sflag:s25] =	ssyncset.done $0x0  }
0x116: {  	[sflag:s25] =	ssyncadd.s32 $0xFFFFFC00  }
0x117: {  	_ =	swait.ge [sflag:s25], $0x400  }
0x118: {  	[sflag:s25] =	ssyncset.done $0x0  }
0x119: {  	[sflag:s25] =	ssyncadd.s32 $0xFFFFFC00  }
0x11a: {  	_ =	swait.ge [sflag:s25], $0x400  }
0x11b: {  	[sflag:s25] =	ssyncset.done $0x0  }
0x11c: {  	[sflag:s25] =	ssyncadd.s32 $0xFFFFFC00  }
0x11d: {  	_ =	swait.ge [sflag:s25], $0x400  }
0x11e: {  	[sflag:s25] =	ssyncset.done $0x0  }
0x11f: {  	[sflag:s25] =	ssyncadd.s32 $0xFFFFFC00  }
0x120: {  	_ =	swait.ge [sflag:s25], $0x400  }
0x121: {  	[sflag:s25] =	ssyncset.done $0x0  }
0x122: {  	[sflag:s25] =	ssyncadd.s32 $0xFFFFFC00  }
0x123: {  	_ =	swait.ge [sflag:s25], $0x400  }
0x124: {  	[sflag:s25] =	ssyncset.done $0x0  }
0x125: {  	[sflag:s25] =	ssyncadd.s32 $0xFFFFFC00  }
0x126: {  	_ =	swait.ge [sflag:s25], $0x400  }
0x127: {  	[sflag:s25] =	ssyncset.done $0x0  }
0x128: {  	[sflag:s25] =	ssyncadd.s32 $0xFFFFFC00  }
0x129: {  	_ =	swait.ge [sflag:s25], $0x400  }
0x12a: {  	[sflag:s25] =	ssyncset.done $0x0  }
0x12b: {  	[sflag:s25] =	ssyncadd.s32 $0xFFFFFC00  }
0x12c: {  	_ =	swait.ge [sflag:s26], $0x400  }
0x12d: {  	[sflag:s26] =	ssyncset.done $0x0  }
0x12e: {  	[sflag:s26] =	ssyncadd.s32 $0xFFFFFC00  }
0x12f: {  	_ =	swait.ge [sflag:s26], $0x400  }
0x130: {  	[sflag:s26] =	ssyncset.done $0x0  }
0x131: {  	[sflag:s26] =	ssyncadd.s32 $0xFFFFFC00  }
0x132: {  	_ =	swait.ge [sflag:s26], $0x400  }
0x133: {  	[sflag:s26] =	ssyncset.done $0x0  }
0x134: {  	[sflag:s26] =	ssyncadd.s32 $0xFFFFFC00  }
0x135: {  	_ =	swait.ge [sflag:s26], $0x400  }
0x136: {  	[sflag:s26] =	ssyncset.done $0x0  }
0x137: {  	[sflag:s26] =	ssyncadd.s32 $0xFFFFFC00  }
0x138: {  	_ =	swait.ge [sflag:s26], $0x400  }
0x139: {  	[sflag:s26] =	ssyncset.done $0x0  }
0x13a: {  	[sflag:s26] =	ssyncadd.s32 $0xFFFFFC00  }
0x13b: {  	_ =	swait.ge [sflag:s26], $0x400  }
0x13c: {  	[sflag:s26] =	ssyncset.done $0x0  }
0x13d: {  	s28 =	sadd.s32 $0x1, s28;
	[sflag:s26] =	ssyncadd.s32 $0xFFFFFC00  }
0x13e: {  	p0 =	sne.s32 s28, s14;
	_ =	swait.ge [sflag:s26], $0x400  }
.Ltmp2:
0x13f: {  	[sflag:s26] =	ssyncset.done $0x0;
	(pc) =	sbr.rel @p0 .LBB2_1-.Ltmp2, $4  }
0x140: {  	[sflag:s26] =	ssyncadd.s32 $0xFFFFFC00  }
0x141: {  	_ =	swait.ge [sflag:s26], $0x400  }
0x142: {  	[sflag:s26] =	ssyncset.done $0x0  }
0x143: {  	[sflag:s26] =	ssyncadd.s32 $0xFFFFFC00  }
0x144: {  	_ =	sfence.sel $0x180000  }
0x145: {  	[bflag:$0x0] =	sbarrier.arrive $0xFFFF  }
0x146: {  	_ =	strace $0x90000047  }
0x147: {  	s0 =	stileid.u32;
	[bflag:$0x2] =	sbarrier.arrive $0xFFFF  }
0x148: {  	p0 =	sne.s32 s0, $0x0;
	s0 =	rddreg [dreg:$0x2]  }
0x149: {  	s0 =	sadd.s32 @!p0 $0x100000, s0  }
0x14a: {  	[sflag:s0] =	ssyncadd.tile.s32 @!p0 $0x1;
	_ =	shalt  }
.Lfunc_end2:
_tile_overlayer_lowered:
.L_overlay_start_2:
0x14b: {  	(tag) =	ssettag $0x2  }
0x14c: {  	s0 =	rddreg [dreg:$0x0];
	s2 =	stileid.u32  }
0x14d: {  	s1 =	rddreg [dreg:$0x1];
	p0 =	sne.s32 s2, $0x0  }
0x14e: {  	s3 =	rddreg [dreg:$0x2];
	[bflag:$0x3] =	sbarrier.arrive $0xFFFF;
	s2 =	simm.s32 @!p0 $0x1C09  }
0x14f: {  	[timem:s3], [sflag:s2] =	dma.local @!p0 [hbm:s0], s1  }
0x150: {  	s0 =	simm.s32 @!p0 $0x9  }
0x151: {  	_ =	swait.ge @!p0 [sflag:s0], s1  }
0x152: {  	s1 =	ssub.s32 @!p0 $0x0, s1;
	[sflag:s0] =	ssyncset.done @!p0 $0x0  }
0x153: {  	[sflag:s0] =	ssyncadd.s32 @!p0 s1  }
0x154: {  	[bflag:$0x3] =	sbarrier.arrive $0xFFFF  }
0x155: {  	_ =	shalt  }

</sc_bundles>
